<compile_context>
chip_gen: v7x
topology: tpu7x:2x2x1
jax: 0.10.2.dev20260603
libtpu: 0.0.44.dev20260713+nightly
codegen_flags: <defaults>
</compile_context>

<pallas_src>
import functools

import jax
import jax.numpy as jnp
from jax import lax
from jax.experimental import pallas as pl
from jax.experimental.pallas import tpu as pltpu

U = 64
BLK = 1024
SUB = 256
S2N = 5


def _halfswap(x):
    return jnp.concatenate([x[:, U:], x[:, :U]], axis=1)


def _tp_kernel(wv_ref, x0_ref, x1_ref, out_ref, *, s0n, s1n, s2n):
    a_chunks = s0n // 2
    b_chunks = s1n // 2
    wrows = [wv_ref[j, :] for j in range(a_chunks * 2 * b_chunks * 5)]

    def body(x0t, x1t, out_ref):
        accd = [None, None]
        accs = [None, None]
        accm = None
        for a in range(a_chunks):
            x0c = x0t[:, a * 2 * U: (a + 1) * 2 * U]
            for sw in range(2):
                xc = x0c if sw == 0 else _halfswap(x0c)
                for b in range(b_chunks):
                    t = xc * x1t[:, b * 2 * U: (b + 1) * 2 * U]
                    j = (((a * 2 + sw) * b_chunks) + b) * 5
                    for c in range(2):
                        d = t * wrows[j + c]
                        s = t * wrows[j + 2 + c]
                        accd[c] = d if accd[c] is None else accd[c] + d
                        accs[c] = s if accs[c] is None else accs[c] + s
                    m = t * wrows[j + 4]
                    accm = m if accm is None else accm + m
        o01 = jnp.concatenate(
            [accd[0] + _halfswap(accs[0]), accd[1] + _halfswap(accs[1])],
            axis=1)
        out_ref[:, : 4 * U] = o01
        out_ref[:, 4 * U:] = accm[:, :U] + accm[:, U:]

    for st in range(BLK // SUB):
        rows = pl.ds(st * SUB, SUB)
        body(x0_ref[rows, :], x1_ref[rows, :], out_ref.at[rows, :])


def kernel(x0, x1, path_coefficients, path_indices):
    n = x0.shape[0]
    s0n = x0.shape[1] // U
    s1n = x1.shape[1] // U
    s2n = S2N

    i0 = path_indices[:, 0]
    i1 = path_indices[:, 1]
    i2 = path_indices[:, 2]
    w = jnp.zeros((s0n, s1n, s2n), jnp.float32).at[i0, i1, i2].add(
        path_coefficients)

    a_chunks = s0n // 2
    b_chunks = s1n // 2
    ag, swg, bg = jnp.meshgrid(
        jnp.arange(a_chunks), jnp.arange(2), jnp.arange(b_chunks),
        indexing="ij")
    f0, f1 = 2 * ag + swg, 2 * bg
    s0_, s1_ = 2 * ag + 1 - swg, 2 * bg + 1
    rows = [
        (w[f0, f1, 0], w[s0_, s1_, 1]),
        (w[f0, f1, 2], w[s0_, s1_, 3]),
        (w[f0, f1, 1], w[s0_, s1_, 0]),
        (w[f0, f1, 3], w[s0_, s1_, 2]),
        (w[f0, f1, 4], w[s0_, s1_, 4]),
    ]

    def expand(first, second):
        return jnp.concatenate(
            [jnp.broadcast_to(first[..., None], first.shape + (U,)),
             jnp.broadcast_to(second[..., None], second.shape + (U,))],
            axis=-1)

    wv = jnp.stack([expand(f, s) for f, s in rows],
                   axis=3).reshape(-1, 2 * U)

    grid = (n // BLK,)
    fn = functools.partial(_tp_kernel, s0n=s0n, s1n=s1n, s2n=s2n)
    out = pl.pallas_call(
        fn,
        grid=grid,
        in_specs=[
            pl.BlockSpec((wv.shape[0], 2 * U), lambda i: (0, 0)),
            pl.BlockSpec((BLK, s0n * U), lambda i: (i, 0)),
            pl.BlockSpec((BLK, s1n * U), lambda i: (i, 0)),
        ],
        out_specs=pl.BlockSpec((BLK, s2n * U), lambda i: (i, 0)),
        out_shape=jax.ShapeDtypeStruct((n, s2n * U), jnp.float32),
        compiler_params=pltpu.CompilerParams(
            dimension_semantics=("parallel",),
        ),
    )(wv, x0, x1)
    return out

# --- scband reference (transcript-rebuilt; emitter-appended) ---
"""Pipeline reference for scband-tensor-product-uniform3x1d-4621384810538 (READ-ONLY COPY).

The authoritative reference and input builder live on the scoring server;
editing this copy changes nothing except your own understanding.
"""

import jax, jax.numpy as jnp
import numpy as np

U = 64          # operand extent (uniform 1d mode size)
S0, S1, S2 = 4, 6, 5   # num segments per operand (x0, x1, out)
P = 16          # number of paths
N = 32768       # batch (e.g., edges in an equivariant GNN)


def setup_inputs(seed: int = 0) -> dict:
    key = jax.random.key(seed)
    k0, k1, kc, ki0, ki1, ki2 = jax.random.split(key, 6)
    x0 = jax.random.normal(k0, (N, S0 * U), dtype=jnp.float32)
    x1 = jax.random.normal(k1, (N, S1 * U), dtype=jnp.float32)
    path_coefficients = jax.random.normal(kc, (P,), dtype=jnp.float32)
    i0 = jax.random.randint(ki0, (P,), 0, S0)
    i1 = jax.random.randint(ki1, (P,), 0, S1)
    i2 = jax.random.randint(ki2, (P,), 0, S2)
    path_indices = jnp.stack([i0, i1, i2], axis=1).astype(jnp.int32)
    return {
        "x0": x0,
        "x1": x1,
        "path_coefficients": path_coefficients,
        "path_indices": path_indices,
    }


def reference(x0, x1, path_coefficients, path_indices):
    # Segmented tensor product, uniform 1d mode, subscripts 'u,u,u':
    # out[:, i2, :] += c_p * x0[:, i0, :] * x1[:, i1, :] for each path p.
    B = x0.shape[0]
    x0r = x0.reshape(B, S0, U)
    x1r = x1.reshape(B, S1, U)
    i0 = path_indices[:, 0]
    i1 = path_indices[:, 1]
    i2 = path_indices[:, 2]
    g0 = jnp.take(x0r, i0, axis=1)                    # [B, P, U] gather
    g1 = jnp.take(x1r, i1, axis=1)                    # [B, P, U] gather
    contrib = path_coefficients[None, :, None] * g0 * g1
    out = jnp.zeros((B, S2, U), dtype=x0.dtype).at[:, i2].add(contrib)  # scatter-add
    return out.reshape(B, S2 * U)

if __name__ == "__main__":
    import jax
    _d = setup_inputs()
    print(jax.jit(kernel)(*tuple(_d.values())))

</pallas_src>

<mosaic_0001>
module attributes {stable_mosaic.version = 14 : i64} {
  func.func @_tp_kernel(%arg0: i32, %arg1: memref<60x128xf32, #tpu.memory_space<vmem>>, %arg2: memref<1024x256xf32, #tpu.memory_space<vmem>>, %arg3: memref<1024x384xf32, #tpu.memory_space<vmem>>, %arg4: memref<1024x320xf32, #tpu.memory_space<vmem>>) attributes {dimension_semantics = [#tpu.dimension_semantics<parallel>], iteration_bounds = array<i64: 32>, scalar_prefetch = 0 : i64, scratch_operands = 0 : i64, tpu.core_type = #tpu.core_type<tc>, window_params = [{pipeline_mode = #tpu.pipeline_mode<synchronous>, transform_indices = @transform_0, window_bounds = array<i64: 60, 128>}, {transform_indices = @transform_1, window_bounds = array<i64: 1024, 256>}, {transform_indices = @transform_2, window_bounds = array<i64: 1024, 384>}, {transform_indices = @transform_3, window_bounds = array<i64: 1024, 320>}]} {
    %get3A = arith.constant 0 : index
    %get3A_0 = arith.constant 0 : index
    %get3A_1 = vector.load %arg1[%get3A, %get3A_0] : memref<60x128xf32, #tpu.memory_space<vmem>>, vector<1x128xf32>
    %get3A_2 = vector.shape_cast %get3A_1 : vector<1x128xf32> to vector<128xf32>
    %get3A_3 = arith.constant 1 : index
    %get3A_4 = arith.constant 0 : index
    %get3A_5 = vector.load %arg1[%get3A_3, %get3A_4] : memref<60x128xf32, #tpu.memory_space<vmem>>, vector<1x128xf32>
    %get3A_6 = vector.shape_cast %get3A_5 : vector<1x128xf32> to vector<128xf32>
    %get3A_7 = arith.constant 2 : index
    %get3A_8 = arith.constant 0 : index
    %get3A_9 = vector.load %arg1[%get3A_7, %get3A_8] : memref<60x128xf32, #tpu.memory_space<vmem>>, vector<1x128xf32>
    %get3A_10 = vector.shape_cast %get3A_9 : vector<1x128xf32> to vector<128xf32>
    %get3A_11 = arith.constant 3 : index
    %get3A_12 = arith.constant 0 : index
    %get3A_13 = vector.load %arg1[%get3A_11, %get3A_12] : memref<60x128xf32, #tpu.memory_space<vmem>>, vector<1x128xf32>
    %get3A_14 = vector.shape_cast %get3A_13 : vector<1x128xf32> to vector<128xf32>
    %get3A_15 = arith.constant 4 : index
    %get3A_16 = arith.constant 0 : index
    %get3A_17 = vector.load %arg1[%get3A_15, %get3A_16] : memref<60x128xf32, #tpu.memory_space<vmem>>, vector<1x128xf32>
    %get3A_18 = vector.shape_cast %get3A_17 : vector<1x128xf32> to vector<128xf32>
    %get3A_19 = arith.constant 5 : index
    %get3A_20 = arith.constant 0 : index
    %get3A_21 = vector.load %arg1[%get3A_19, %get3A_20] : memref<60x128xf32, #tpu.memory_space<vmem>>, vector<1x128xf32>
    %get3A_22 = vector.shape_cast %get3A_21 : vector<1x128xf32> to vector<128xf32>
    %get3A_23 = arith.constant 6 : index
    %get3A_24 = arith.constant 0 : index
    %get3A_25 = vector.load %arg1[%get3A_23, %get3A_24] : memref<60x128xf32, #tpu.memory_space<vmem>>, vector<1x128xf32>
    %get3A_26 = vector.shape_cast %get3A_25 : vector<1x128xf32> to vector<128xf32>
    %get3A_27 = arith.constant 7 : index
    %get3A_28 = arith.constant 0 : index
    %get3A_29 = vector.load %arg1[%get3A_27, %get3A_28] : memref<60x128xf32, #tpu.memory_space<vmem>>, vector<1x128xf32>
    %get3A_30 = vector.shape_cast %get3A_29 : vector<1x128xf32> to vector<128xf32>
    %get3A_31 = arith.constant 8 : index
    %get3A_32 = arith.constant 0 : index
    %get3A_33 = vector.load %arg1[%get3A_31, %get3A_32] : memref<60x128xf32, #tpu.memory_space<vmem>>, vector<1x128xf32>
    %get3A_34 = vector.shape_cast %get3A_33 : vector<1x128xf32> to vector<128xf32>
    %get3A_35 = arith.constant 9 : index
    %get3A_36 = arith.constant 0 : index
    %get3A_37 = vector.load %arg1[%get3A_35, %get3A_36] : memref<60x128xf32, #tpu.memory_space<vmem>>, vector<1x128xf32>
    %get3A_38 = vector.shape_cast %get3A_37 : vector<1x128xf32> to vector<128xf32>
    %get3A_39 = arith.constant 10 : index
    %get3A_40 = arith.constant 0 : index
    %get3A_41 = vector.load %arg1[%get3A_39, %get3A_40] : memref<60x128xf32, #tpu.memory_space<vmem>>, vector<1x128xf32>
    %get3A_42 = vector.shape_cast %get3A_41 : vector<1x128xf32> to vector<128xf32>
    %get3A_43 = arith.constant 11 : index
    %get3A_44 = arith.constant 0 : index
    %get3A_45 = vector.load %arg1[%get3A_43, %get3A_44] : memref<60x128xf32, #tpu.memory_space<vmem>>, vector<1x128xf32>
    %get3A_46 = vector.shape_cast %get3A_45 : vector<1x128xf32> to vector<128xf32>
    %get3A_47 = arith.constant 12 : index
    %get3A_48 = arith.constant 0 : index
    %get3A_49 = vector.load %arg1[%get3A_47, %get3A_48] : memref<60x128xf32, #tpu.memory_space<vmem>>, vector<1x128xf32>
    %get3A_50 = vector.shape_cast %get3A_49 : vector<1x128xf32> to vector<128xf32>
    %get3A_51 = arith.constant 13 : index
    %get3A_52 = arith.constant 0 : index
    %get3A_53 = vector.load %arg1[%get3A_51, %get3A_52] : memref<60x128xf32, #tpu.memory_space<vmem>>, vector<1x128xf32>
    %get3A_54 = vector.shape_cast %get3A_53 : vector<1x128xf32> to vector<128xf32>
    %get3A_55 = arith.constant 14 : index
    %get3A_56 = arith.constant 0 : index
    %get3A_57 = vector.load %arg1[%get3A_55, %get3A_56] : memref<60x128xf32, #tpu.memory_space<vmem>>, vector<1x128xf32>
    %get3A_58 = vector.shape_cast %get3A_57 : vector<1x128xf32> to vector<128xf32>
    %get3A_59 = arith.constant 15 : index
    %get3A_60 = arith.constant 0 : index
    %get3A_61 = vector.load %arg1[%get3A_59, %get3A_60] : memref<60x128xf32, #tpu.memory_space<vmem>>, vector<1x128xf32>
    %get3A_62 = vector.shape_cast %get3A_61 : vector<1x128xf32> to vector<128xf32>
    %get3A_63 = arith.constant 16 : index
    %get3A_64 = arith.constant 0 : index
    %get3A_65 = vector.load %arg1[%get3A_63, %get3A_64] : memref<60x128xf32, #tpu.memory_space<vmem>>, vector<1x128xf32>
    %get3A_66 = vector.shape_cast %get3A_65 : vector<1x128xf32> to vector<128xf32>
    %get3A_67 = arith.constant 17 : index
    %get3A_68 = arith.constant 0 : index
    %get3A_69 = vector.load %arg1[%get3A_67, %get3A_68] : memref<60x128xf32, #tpu.memory_space<vmem>>, vector<1x128xf32>
    %get3A_70 = vector.shape_cast %get3A_69 : vector<1x128xf32> to vector<128xf32>
    %get3A_71 = arith.constant 18 : index
    %get3A_72 = arith.constant 0 : index
    %get3A_73 = vector.load %arg1[%get3A_71, %get3A_72] : memref<60x128xf32, #tpu.memory_space<vmem>>, vector<1x128xf32>
    %get3A_74 = vector.shape_cast %get3A_73 : vector<1x128xf32> to vector<128xf32>
    %get3A_75 = arith.constant 19 : index
    %get3A_76 = arith.constant 0 : index
    %get3A_77 = vector.load %arg1[%get3A_75, %get3A_76] : memref<60x128xf32, #tpu.memory_space<vmem>>, vector<1x128xf32>
    %get3A_78 = vector.shape_cast %get3A_77 : vector<1x128xf32> to vector<128xf32>
    %get3A_79 = arith.constant 20 : index
    %get3A_80 = arith.constant 0 : index
    %get3A_81 = vector.load %arg1[%get3A_79, %get3A_80] : memref<60x128xf32, #tpu.memory_space<vmem>>, vector<1x128xf32>
    %get3A_82 = vector.shape_cast %get3A_81 : vector<1x128xf32> to vector<128xf32>
    %get3A_83 = arith.constant 21 : index
    %get3A_84 = arith.constant 0 : index
    %get3A_85 = vector.load %arg1[%get3A_83, %get3A_84] : memref<60x128xf32, #tpu.memory_space<vmem>>, vector<1x128xf32>
    %get3A_86 = vector.shape_cast %get3A_85 : vector<1x128xf32> to vector<128xf32>
    %get3A_87 = arith.constant 22 : index
    %get3A_88 = arith.constant 0 : index
    %get3A_89 = vector.load %arg1[%get3A_87, %get3A_88] : memref<60x128xf32, #tpu.memory_space<vmem>>, vector<1x128xf32>
    %get3A_90 = vector.shape_cast %get3A_89 : vector<1x128xf32> to vector<128xf32>
    %get3A_91 = arith.constant 23 : index
    %get3A_92 = arith.constant 0 : index
    %get3A_93 = vector.load %arg1[%get3A_91, %get3A_92] : memref<60x128xf32, #tpu.memory_space<vmem>>, vector<1x128xf32>
    %get3A_94 = vector.shape_cast %get3A_93 : vector<1x128xf32> to vector<128xf32>
    %get3A_95 = arith.constant 24 : index
    %get3A_96 = arith.constant 0 : index
    %get3A_97 = vector.load %arg1[%get3A_95, %get3A_96] : memref<60x128xf32, #tpu.memory_space<vmem>>, vector<1x128xf32>
    %get3A_98 = vector.shape_cast %get3A_97 : vector<1x128xf32> to vector<128xf32>
    %get3A_99 = arith.constant 25 : index
    %get3A_100 = arith.constant 0 : index
    %get3A_101 = vector.load %arg1[%get3A_99, %get3A_100] : memref<60x128xf32, #tpu.memory_space<vmem>>, vector<1x128xf32>
    %get3A_102 = vector.shape_cast %get3A_101 : vector<1x128xf32> to vector<128xf32>
    %get3A_103 = arith.constant 26 : index
    %get3A_104 = arith.constant 0 : index
    %get3A_105 = vector.load %arg1[%get3A_103, %get3A_104] : memref<60x128xf32, #tpu.memory_space<vmem>>, vector<1x128xf32>
    %get3A_106 = vector.shape_cast %get3A_105 : vector<1x128xf32> to vector<128xf32>
    %get3A_107 = arith.constant 27 : index
    %get3A_108 = arith.constant 0 : index
    %get3A_109 = vector.load %arg1[%get3A_107, %get3A_108] : memref<60x128xf32, #tpu.memory_space<vmem>>, vector<1x128xf32>
    %get3A_110 = vector.shape_cast %get3A_109 : vector<1x128xf32> to vector<128xf32>
    %get3A_111 = arith.constant 28 : index
    %get3A_112 = arith.constant 0 : index
    %get3A_113 = vector.load %arg1[%get3A_111, %get3A_112] : memref<60x128xf32, #tpu.memory_space<vmem>>, vector<1x128xf32>
    %get3A_114 = vector.shape_cast %get3A_113 : vector<1x128xf32> to vector<128xf32>
    %get3A_115 = arith.constant 29 : index
    %get3A_116 = arith.constant 0 : index
    %get3A_117 = vector.load %arg1[%get3A_115, %get3A_116] : memref<60x128xf32, #tpu.memory_space<vmem>>, vector<1x128xf32>
    %get3A_118 = vector.shape_cast %get3A_117 : vector<1x128xf32> to vector<128xf32>
    %get3A_119 = arith.constant 30 : index
    %get3A_120 = arith.constant 0 : index
    %get3A_121 = vector.load %arg1[%get3A_119, %get3A_120] : memref<60x128xf32, #tpu.memory_space<vmem>>, vector<1x128xf32>
    %get3A_122 = vector.shape_cast %get3A_121 : vector<1x128xf32> to vector<128xf32>
    %get3A_123 = arith.constant 31 : index
    %get3A_124 = arith.constant 0 : index
    %get3A_125 = vector.load %arg1[%get3A_123, %get3A_124] : memref<60x128xf32, #tpu.memory_space<vmem>>, vector<1x128xf32>
    %get3A_126 = vector.shape_cast %get3A_125 : vector<1x128xf32> to vector<128xf32>
    %get3A_127 = arith.constant 32 : index
    %get3A_128 = arith.constant 0 : index
    %get3A_129 = vector.load %arg1[%get3A_127, %get3A_128] : memref<60x128xf32, #tpu.memory_space<vmem>>, vector<1x128xf32>
    %get3A_130 = vector.shape_cast %get3A_129 : vector<1x128xf32> to vector<128xf32>
    %get3A_131 = arith.constant 33 : index
    %get3A_132 = arith.constant 0 : index
    %get3A_133 = vector.load %arg1[%get3A_131, %get3A_132] : memref<60x128xf32, #tpu.memory_space<vmem>>, vector<1x128xf32>
    %get3A_134 = vector.shape_cast %get3A_133 : vector<1x128xf32> to vector<128xf32>
    %get3A_135 = arith.constant 34 : index
    %get3A_136 = arith.constant 0 : index
    %get3A_137 = vector.load %arg1[%get3A_135, %get3A_136] : memref<60x128xf32, #tpu.memory_space<vmem>>, vector<1x128xf32>
    %get3A_138 = vector.shape_cast %get3A_137 : vector<1x128xf32> to vector<128xf32>
    %get3A_139 = arith.constant 35 : index
    %get3A_140 = arith.constant 0 : index
    %get3A_141 = vector.load %arg1[%get3A_139, %get3A_140] : memref<60x128xf32, #tpu.memory_space<vmem>>, vector<1x128xf32>
    %get3A_142 = vector.shape_cast %get3A_141 : vector<1x128xf32> to vector<128xf32>
    %get3A_143 = arith.constant 36 : index
    %get3A_144 = arith.constant 0 : index
    %get3A_145 = vector.load %arg1[%get3A_143, %get3A_144] : memref<60x128xf32, #tpu.memory_space<vmem>>, vector<1x128xf32>
    %get3A_146 = vector.shape_cast %get3A_145 : vector<1x128xf32> to vector<128xf32>
    %get3A_147 = arith.constant 37 : index
    %get3A_148 = arith.constant 0 : index
    %get3A_149 = vector.load %arg1[%get3A_147, %get3A_148] : memref<60x128xf32, #tpu.memory_space<vmem>>, vector<1x128xf32>
    %get3A_150 = vector.shape_cast %get3A_149 : vector<1x128xf32> to vector<128xf32>
    %get3A_151 = arith.constant 38 : index
    %get3A_152 = arith.constant 0 : index
    %get3A_153 = vector.load %arg1[%get3A_151, %get3A_152] : memref<60x128xf32, #tpu.memory_space<vmem>>, vector<1x128xf32>
    %get3A_154 = vector.shape_cast %get3A_153 : vector<1x128xf32> to vector<128xf32>
    %get3A_155 = arith.constant 39 : index
    %get3A_156 = arith.constant 0 : index
    %get3A_157 = vector.load %arg1[%get3A_155, %get3A_156] : memref<60x128xf32, #tpu.memory_space<vmem>>, vector<1x128xf32>
    %get3A_158 = vector.shape_cast %get3A_157 : vector<1x128xf32> to vector<128xf32>
    %get3A_159 = arith.constant 40 : index
    %get3A_160 = arith.constant 0 : index
    %get3A_161 = vector.load %arg1[%get3A_159, %get3A_160] : memref<60x128xf32, #tpu.memory_space<vmem>>, vector<1x128xf32>
    %get3A_162 = vector.shape_cast %get3A_161 : vector<1x128xf32> to vector<128xf32>
    %get3A_163 = arith.constant 41 : index
    %get3A_164 = arith.constant 0 : index
    %get3A_165 = vector.load %arg1[%get3A_163, %get3A_164] : memref<60x128xf32, #tpu.memory_space<vmem>>, vector<1x128xf32>
    %get3A_166 = vector.shape_cast %get3A_165 : vector<1x128xf32> to vector<128xf32>
    %get3A_167 = arith.constant 42 : index
    %get3A_168 = arith.constant 0 : index
    %get3A_169 = vector.load %arg1[%get3A_167, %get3A_168] : memref<60x128xf32, #tpu.memory_space<vmem>>, vector<1x128xf32>
    %get3A_170 = vector.shape_cast %get3A_169 : vector<1x128xf32> to vector<128xf32>
    %get3A_171 = arith.constant 43 : index
    %get3A_172 = arith.constant 0 : index
    %get3A_173 = vector.load %arg1[%get3A_171, %get3A_172] : memref<60x128xf32, #tpu.memory_space<vmem>>, vector<1x128xf32>
    %get3A_174 = vector.shape_cast %get3A_173 : vector<1x128xf32> to vector<128xf32>
    %get3A_175 = arith.constant 44 : index
    %get3A_176 = arith.constant 0 : index
    %get3A_177 = vector.load %arg1[%get3A_175, %get3A_176] : memref<60x128xf32, #tpu.memory_space<vmem>>, vector<1x128xf32>
    %get3A_178 = vector.shape_cast %get3A_177 : vector<1x128xf32> to vector<128xf32>
    %get3A_179 = arith.constant 45 : index
    %get3A_180 = arith.constant 0 : index
    %get3A_181 = vector.load %arg1[%get3A_179, %get3A_180] : memref<60x128xf32, #tpu.memory_space<vmem>>, vector<1x128xf32>
    %get3A_182 = vector.shape_cast %get3A_181 : vector<1x128xf32> to vector<128xf32>
    %get3A_183 = arith.constant 46 : index
    %get3A_184 = arith.constant 0 : index
    %get3A_185 = vector.load %arg1[%get3A_183, %get3A_184] : memref<60x128xf32, #tpu.memory_space<vmem>>, vector<1x128xf32>
    %get3A_186 = vector.shape_cast %get3A_185 : vector<1x128xf32> to vector<128xf32>
    %get3A_187 = arith.constant 47 : index
    %get3A_188 = arith.constant 0 : index
    %get3A_189 = vector.load %arg1[%get3A_187, %get3A_188] : memref<60x128xf32, #tpu.memory_space<vmem>>, vector<1x128xf32>
    %get3A_190 = vector.shape_cast %get3A_189 : vector<1x128xf32> to vector<128xf32>
    %get3A_191 = arith.constant 48 : index
    %get3A_192 = arith.constant 0 : index
    %get3A_193 = vector.load %arg1[%get3A_191, %get3A_192] : memref<60x128xf32, #tpu.memory_space<vmem>>, vector<1x128xf32>
    %get3A_194 = vector.shape_cast %get3A_193 : vector<1x128xf32> to vector<128xf32>
    %get3A_195 = arith.constant 49 : index
    %get3A_196 = arith.constant 0 : index
    %get3A_197 = vector.load %arg1[%get3A_195, %get3A_196] : memref<60x128xf32, #tpu.memory_space<vmem>>, vector<1x128xf32>
    %get3A_198 = vector.shape_cast %get3A_197 : vector<1x128xf32> to vector<128xf32>
    %get3A_199 = arith.constant 50 : index
    %get3A_200 = arith.constant 0 : index
    %get3A_201 = vector.load %arg1[%get3A_199, %get3A_200] : memref<60x128xf32, #tpu.memory_space<vmem>>, vector<1x128xf32>
    %get3A_202 = vector.shape_cast %get3A_201 : vector<1x128xf32> to vector<128xf32>
    %get3A_203 = arith.constant 51 : index
    %get3A_204 = arith.constant 0 : index
    %get3A_205 = vector.load %arg1[%get3A_203, %get3A_204] : memref<60x128xf32, #tpu.memory_space<vmem>>, vector<1x128xf32>
    %get3A_206 = vector.shape_cast %get3A_205 : vector<1x128xf32> to vector<128xf32>
    %get3A_207 = arith.constant 52 : index
    %get3A_208 = arith.constant 0 : index
    %get3A_209 = vector.load %arg1[%get3A_207, %get3A_208] : memref<60x128xf32, #tpu.memory_space<vmem>>, vector<1x128xf32>
    %get3A_210 = vector.shape_cast %get3A_209 : vector<1x128xf32> to vector<128xf32>
    %get3A_211 = arith.constant 53 : index
    %get3A_212 = arith.constant 0 : index
    %get3A_213 = vector.load %arg1[%get3A_211, %get3A_212] : memref<60x128xf32, #tpu.memory_space<vmem>>, vector<1x128xf32>
    %get3A_214 = vector.shape_cast %get3A_213 : vector<1x128xf32> to vector<128xf32>
    %get3A_215 = arith.constant 54 : index
    %get3A_216 = arith.constant 0 : index
    %get3A_217 = vector.load %arg1[%get3A_215, %get3A_216] : memref<60x128xf32, #tpu.memory_space<vmem>>, vector<1x128xf32>
    %get3A_218 = vector.shape_cast %get3A_217 : vector<1x128xf32> to vector<128xf32>
    %get3A_219 = arith.constant 55 : index
    %get3A_220 = arith.constant 0 : index
    %get3A_221 = vector.load %arg1[%get3A_219, %get3A_220] : memref<60x128xf32, #tpu.memory_space<vmem>>, vector<1x128xf32>
    %get3A_222 = vector.shape_cast %get3A_221 : vector<1x128xf32> to vector<128xf32>
    %get3A_223 = arith.constant 56 : index
    %get3A_224 = arith.constant 0 : index
    %get3A_225 = vector.load %arg1[%get3A_223, %get3A_224] : memref<60x128xf32, #tpu.memory_space<vmem>>, vector<1x128xf32>
    %get3A_226 = vector.shape_cast %get3A_225 : vector<1x128xf32> to vector<128xf32>
    %get3A_227 = arith.constant 57 : index
    %get3A_228 = arith.constant 0 : index
    %get3A_229 = vector.load %arg1[%get3A_227, %get3A_228] : memref<60x128xf32, #tpu.memory_space<vmem>>, vector<1x128xf32>
    %get3A_230 = vector.shape_cast %get3A_229 : vector<1x128xf32> to vector<128xf32>
    %get3A_231 = arith.constant 58 : index
    %get3A_232 = arith.constant 0 : index
    %get3A_233 = vector.load %arg1[%get3A_231, %get3A_232] : memref<60x128xf32, #tpu.memory_space<vmem>>, vector<1x128xf32>
    %get3A_234 = vector.shape_cast %get3A_233 : vector<1x128xf32> to vector<128xf32>
    %get3A_235 = arith.constant 59 : index
    %get3A_236 = arith.constant 0 : index
    %get3A_237 = vector.load %arg1[%get3A_235, %get3A_236] : memref<60x128xf32, #tpu.memory_space<vmem>>, vector<1x128xf32>
    %get3A_238 = vector.shape_cast %get3A_237 : vector<1x128xf32> to vector<128xf32>
    %get3A_239 = arith.constant 0 : index
    %get3A_240 = arith.constant 0 : index
    %get3A_241 = vector.load %arg2[%get3A_239, %get3A_240] : memref<1024x256xf32, #tpu.memory_space<vmem>>, vector<256x256xf32>
    %get3A_242 = arith.constant 0 : index
    %get3A_243 = arith.constant 0 : index
    %get3A_244 = vector.load %arg3[%get3A_242, %get3A_243] : memref<1024x384xf32, #tpu.memory_space<vmem>>, vector<256x384xf32>
    %slice3A = vector.extract_strided_slice %get3A_241 {offsets = [0, 0], sizes = [256, 128], strides = [1, 1]} : vector<256x256xf32> to vector<256x128xf32>
    %slice3A_245 = vector.extract_strided_slice %get3A_244 {offsets = [0, 0], sizes = [256, 128], strides = [1, 1]} : vector<256x384xf32> to vector<256x128xf32>
    %mul3A = arith.mulf %slice3A, %slice3A_245 : vector<256x128xf32>
    %broadcast_in_dim3A = vector.shape_cast %get3A_2 : vector<128xf32> to vector<1x128xf32>
    %mul3A_246 = vector.broadcast %broadcast_in_dim3A : vector<1x128xf32> to vector<256x128xf32>
    %mul3A_247 = arith.mulf %mul3A, %mul3A_246 : vector<256x128xf32>
    %broadcast_in_dim3A_248 = vector.shape_cast %get3A_10 : vector<128xf32> to vector<1x128xf32>
    %mul3A_249 = vector.broadcast %broadcast_in_dim3A_248 : vector<1x128xf32> to vector<256x128xf32>
    %mul3A_250 = arith.mulf %mul3A, %mul3A_249 : vector<256x128xf32>
    %broadcast_in_dim3A_251 = vector.shape_cast %get3A_6 : vector<128xf32> to vector<1x128xf32>
    %mul3A_252 = vector.broadcast %broadcast_in_dim3A_251 : vector<1x128xf32> to vector<256x128xf32>
    %mul3A_253 = arith.mulf %mul3A, %mul3A_252 : vector<256x128xf32>
    %broadcast_in_dim3A_254 = vector.shape_cast %get3A_14 : vector<128xf32> to vector<1x128xf32>
    %mul3A_255 = vector.broadcast %broadcast_in_dim3A_254 : vector<1x128xf32> to vector<256x128xf32>
    %mul3A_256 = arith.mulf %mul3A, %mul3A_255 : vector<256x128xf32>
    %broadcast_in_dim3A_257 = vector.shape_cast %get3A_18 : vector<128xf32> to vector<1x128xf32>
    %mul3A_258 = vector.broadcast %broadcast_in_dim3A_257 : vector<1x128xf32> to vector<256x128xf32>
    %mul3A_259 = arith.mulf %mul3A, %mul3A_258 : vector<256x128xf32>
    %slice3A_260 = vector.extract_strided_slice %get3A_244 {offsets = [0, 128], sizes = [256, 128], strides = [1, 1]} : vector<256x384xf32> to vector<256x128xf32>
    %mul3A_261 = arith.mulf %slice3A, %slice3A_260 : vector<256x128xf32>
    %broadcast_in_dim3A_262 = vector.shape_cast %get3A_22 : vector<128xf32> to vector<1x128xf32>
    %mul3A_263 = vector.broadcast %broadcast_in_dim3A_262 : vector<1x128xf32> to vector<256x128xf32>
    %mul3A_264 = arith.mulf %mul3A_261, %mul3A_263 : vector<256x128xf32>
    %broadcast_in_dim3A_265 = vector.shape_cast %get3A_30 : vector<128xf32> to vector<1x128xf32>
    %mul3A_266 = vector.broadcast %broadcast_in_dim3A_265 : vector<1x128xf32> to vector<256x128xf32>
    %mul3A_267 = arith.mulf %mul3A_261, %mul3A_266 : vector<256x128xf32>
    %add3A = arith.addf %mul3A_247, %mul3A_264 : vector<256x128xf32>
    %add3A_268 = arith.addf %mul3A_250, %mul3A_267 : vector<256x128xf32>
    %broadcast_in_dim3A_269 = vector.shape_cast %get3A_26 : vector<128xf32> to vector<1x128xf32>
    %mul3A_270 = vector.broadcast %broadcast_in_dim3A_269 : vector<1x128xf32> to vector<256x128xf32>
    %mul3A_271 = arith.mulf %mul3A_261, %mul3A_270 : vector<256x128xf32>
    %broadcast_in_dim3A_272 = vector.shape_cast %get3A_34 : vector<128xf32> to vector<1x128xf32>
    %mul3A_273 = vector.broadcast %broadcast_in_dim3A_272 : vector<1x128xf32> to vector<256x128xf32>
    %mul3A_274 = arith.mulf %mul3A_261, %mul3A_273 : vector<256x128xf32>
    %add3A_275 = arith.addf %mul3A_253, %mul3A_271 : vector<256x128xf32>
    %add3A_276 = arith.addf %mul3A_256, %mul3A_274 : vector<256x128xf32>
    %broadcast_in_dim3A_277 = vector.shape_cast %get3A_38 : vector<128xf32> to vector<1x128xf32>
    %mul3A_278 = vector.broadcast %broadcast_in_dim3A_277 : vector<1x128xf32> to vector<256x128xf32>
    %mul3A_279 = arith.mulf %mul3A_261, %mul3A_278 : vector<256x128xf32>
    %add3A_280 = arith.addf %mul3A_259, %mul3A_279 : vector<256x128xf32>
    %slice3A_281 = vector.extract_strided_slice %get3A_244 {offsets = [0, 256], sizes = [256, 128], strides = [1, 1]} : vector<256x384xf32> to vector<256x128xf32>
    %mul3A_282 = arith.mulf %slice3A, %slice3A_281 : vector<256x128xf32>
    %broadcast_in_dim3A_283 = vector.shape_cast %get3A_42 : vector<128xf32> to vector<1x128xf32>
    %mul3A_284 = vector.broadcast %broadcast_in_dim3A_283 : vector<1x128xf32> to vector<256x128xf32>
    %mul3A_285 = arith.mulf %mul3A_282, %mul3A_284 : vector<256x128xf32>
    %broadcast_in_dim3A_286 = vector.shape_cast %get3A_50 : vector<128xf32> to vector<1x128xf32>
    %mul3A_287 = vector.broadcast %broadcast_in_dim3A_286 : vector<1x128xf32> to vector<256x128xf32>
    %mul3A_288 = arith.mulf %mul3A_282, %mul3A_287 : vector<256x128xf32>
    %add3A_289 = arith.addf %add3A, %mul3A_285 : vector<256x128xf32>
    %add3A_290 = arith.addf %add3A_268, %mul3A_288 : vector<256x128xf32>
    %broadcast_in_dim3A_291 = vector.shape_cast %get3A_46 : vector<128xf32> to vector<1x128xf32>
    %mul3A_292 = vector.broadcast %broadcast_in_dim3A_291 : vector<1x128xf32> to vector<256x128xf32>
    %mul3A_293 = arith.mulf %mul3A_282, %mul3A_292 : vector<256x128xf32>
    %broadcast_in_dim3A_294 = vector.shape_cast %get3A_54 : vector<128xf32> to vector<1x128xf32>
    %mul3A_295 = vector.broadcast %broadcast_in_dim3A_294 : vector<1x128xf32> to vector<256x128xf32>
    %mul3A_296 = arith.mulf %mul3A_282, %mul3A_295 : vector<256x128xf32>
    %add3A_297 = arith.addf %add3A_275, %mul3A_293 : vector<256x128xf32>
    %add3A_298 = arith.addf %add3A_276, %mul3A_296 : vector<256x128xf32>
    %broadcast_in_dim3A_299 = vector.shape_cast %get3A_58 : vector<128xf32> to vector<1x128xf32>
    %mul3A_300 = vector.broadcast %broadcast_in_dim3A_299 : vector<1x128xf32> to vector<256x128xf32>
    %mul3A_301 = arith.mulf %mul3A_282, %mul3A_300 : vector<256x128xf32>
    %add3A_302 = arith.addf %add3A_280, %mul3A_301 : vector<256x128xf32>
    %slice3A_303 = vector.extract_strided_slice %slice3A {offsets = [0, 64], sizes = [256, 64], strides = [1, 1]} : vector<256x128xf32> to vector<256x64xf32>
    %slice3A_304 = vector.extract_strided_slice %slice3A {offsets = [0, 0], sizes = [256, 64], strides = [1, 1]} : vector<256x128xf32> to vector<256x64xf32>
    %concatenate3A = tpu.concatenate %slice3A_303, %slice3A_304 in 1 : vector<256x64xf32>, vector<256x64xf32> -> vector<256x128xf32>
    %slice3A_305 = vector.extract_strided_slice %get3A_244 {offsets = [0, 0], sizes = [256, 128], strides = [1, 1]} : vector<256x384xf32> to vector<256x128xf32>
    %mul3A_306 = arith.mulf %concatenate3A, %slice3A_305 : vector<256x128xf32>
    %broadcast_in_dim3A_307 = vector.shape_cast %get3A_62 : vector<128xf32> to vector<1x128xf32>
    %mul3A_308 = vector.broadcast %broadcast_in_dim3A_307 : vector<1x128xf32> to vector<256x128xf32>
    %mul3A_309 = arith.mulf %mul3A_306, %mul3A_308 : vector<256x128xf32>
    %broadcast_in_dim3A_310 = vector.shape_cast %get3A_70 : vector<128xf32> to vector<1x128xf32>
    %mul3A_311 = vector.broadcast %broadcast_in_dim3A_310 : vector<1x128xf32> to vector<256x128xf32>
    %mul3A_312 = arith.mulf %mul3A_306, %mul3A_311 : vector<256x128xf32>
    %add3A_313 = arith.addf %add3A_289, %mul3A_309 : vector<256x128xf32>
    %add3A_314 = arith.addf %add3A_290, %mul3A_312 : vector<256x128xf32>
    %broadcast_in_dim3A_315 = vector.shape_cast %get3A_66 : vector<128xf32> to vector<1x128xf32>
    %mul3A_316 = vector.broadcast %broadcast_in_dim3A_315 : vector<1x128xf32> to vector<256x128xf32>
    %mul3A_317 = arith.mulf %mul3A_306, %mul3A_316 : vector<256x128xf32>
    %broadcast_in_dim3A_318 = vector.shape_cast %get3A_74 : vector<128xf32> to vector<1x128xf32>
    %mul3A_319 = vector.broadcast %broadcast_in_dim3A_318 : vector<1x128xf32> to vector<256x128xf32>
    %mul3A_320 = arith.mulf %mul3A_306, %mul3A_319 : vector<256x128xf32>
    %add3A_321 = arith.addf %add3A_297, %mul3A_317 : vector<256x128xf32>
    %add3A_322 = arith.addf %add3A_298, %mul3A_320 : vector<256x128xf32>
    %broadcast_in_dim3A_323 = vector.shape_cast %get3A_78 : vector<128xf32> to vector<1x128xf32>
    %mul3A_324 = vector.broadcast %broadcast_in_dim3A_323 : vector<1x128xf32> to vector<256x128xf32>
    %mul3A_325 = arith.mulf %mul3A_306, %mul3A_324 : vector<256x128xf32>
    %add3A_326 = arith.addf %add3A_302, %mul3A_325 : vector<256x128xf32>
    %slice3A_327 = vector.extract_strided_slice %get3A_244 {offsets = [0, 128], sizes = [256, 128], strides = [1, 1]} : vector<256x384xf32> to vector<256x128xf32>
    %mul3A_328 = arith.mulf %concatenate3A, %slice3A_327 : vector<256x128xf32>
    %broadcast_in_dim3A_329 = vector.shape_cast %get3A_82 : vector<128xf32> to vector<1x128xf32>
    %mul3A_330 = vector.broadcast %broadcast_in_dim3A_329 : vector<1x128xf32> to vector<256x128xf32>
    %mul3A_331 = arith.mulf %mul3A_328, %mul3A_330 : vector<256x128xf32>
    %broadcast_in_dim3A_332 = vector.shape_cast %get3A_90 : vector<128xf32> to vector<1x128xf32>
    %mul3A_333 = vector.broadcast %broadcast_in_dim3A_332 : vector<1x128xf32> to vector<256x128xf32>
    %mul3A_334 = arith.mulf %mul3A_328, %mul3A_333 : vector<256x128xf32>
    %add3A_335 = arith.addf %add3A_313, %mul3A_331 : vector<256x128xf32>
    %add3A_336 = arith.addf %add3A_314, %mul3A_334 : vector<256x128xf32>
    %broadcast_in_dim3A_337 = vector.shape_cast %get3A_86 : vector<128xf32> to vector<1x128xf32>
    %mul3A_338 = vector.broadcast %broadcast_in_dim3A_337 : vector<1x128xf32> to vector<256x128xf32>
    %mul3A_339 = arith.mulf %mul3A_328, %mul3A_338 : vector<256x128xf32>
    %broadcast_in_dim3A_340 = vector.shape_cast %get3A_94 : vector<128xf32> to vector<1x128xf32>
    %mul3A_341 = vector.broadcast %broadcast_in_dim3A_340 : vector<1x128xf32> to vector<256x128xf32>
    %mul3A_342 = arith.mulf %mul3A_328, %mul3A_341 : vector<256x128xf32>
    %add3A_343 = arith.addf %add3A_321, %mul3A_339 : vector<256x128xf32>
    %add3A_344 = arith.addf %add3A_322, %mul3A_342 : vector<256x128xf32>
    %broadcast_in_dim3A_345 = vector.shape_cast %get3A_98 : vector<128xf32> to vector<1x128xf32>
    %mul3A_346 = vector.broadcast %broadcast_in_dim3A_345 : vector<1x128xf32> to vector<256x128xf32>
    %mul3A_347 = arith.mulf %mul3A_328, %mul3A_346 : vector<256x128xf32>
    %add3A_348 = arith.addf %add3A_326, %mul3A_347 : vector<256x128xf32>
    %slice3A_349 = vector.extract_strided_slice %get3A_244 {offsets = [0, 256], sizes = [256, 128], strides = [1, 1]} : vector<256x384xf32> to vector<256x128xf32>
    %mul3A_350 = arith.mulf %concatenate3A, %slice3A_349 : vector<256x128xf32>
    %broadcast_in_dim3A_351 = vector.shape_cast %get3A_102 : vector<128xf32> to vector<1x128xf32>
    %mul3A_352 = vector.broadcast %broadcast_in_dim3A_351 : vector<1x128xf32> to vector<256x128xf32>
    %mul3A_353 = arith.mulf %mul3A_350, %mul3A_352 : vector<256x128xf32>
    %broadcast_in_dim3A_354 = vector.shape_cast %get3A_110 : vector<128xf32> to vector<1x128xf32>
    %mul3A_355 = vector.broadcast %broadcast_in_dim3A_354 : vector<1x128xf32> to vector<256x128xf32>
    %mul3A_356 = arith.mulf %mul3A_350, %mul3A_355 : vector<256x128xf32>
    %add3A_357 = arith.addf %add3A_335, %mul3A_353 : vector<256x128xf32>
    %add3A_358 = arith.addf %add3A_336, %mul3A_356 : vector<256x128xf32>
    %broadcast_in_dim3A_359 = vector.shape_cast %get3A_106 : vector<128xf32> to vector<1x128xf32>
    %mul3A_360 = vector.broadcast %broadcast_in_dim3A_359 : vector<1x128xf32> to vector<256x128xf32>
    %mul3A_361 = arith.mulf %mul3A_350, %mul3A_360 : vector<256x128xf32>
    %broadcast_in_dim3A_362 = vector.shape_cast %get3A_114 : vector<128xf32> to vector<1x128xf32>
    %mul3A_363 = vector.broadcast %broadcast_in_dim3A_362 : vector<1x128xf32> to vector<256x128xf32>
    %mul3A_364 = arith.mulf %mul3A_350, %mul3A_363 : vector<256x128xf32>
    %add3A_365 = arith.addf %add3A_343, %mul3A_361 : vector<256x128xf32>
    %add3A_366 = arith.addf %add3A_344, %mul3A_364 : vector<256x128xf32>
    %broadcast_in_dim3A_367 = vector.shape_cast %get3A_118 : vector<128xf32> to vector<1x128xf32>
    %mul3A_368 = vector.broadcast %broadcast_in_dim3A_367 : vector<1x128xf32> to vector<256x128xf32>
    %mul3A_369 = arith.mulf %mul3A_350, %mul3A_368 : vector<256x128xf32>
    %add3A_370 = arith.addf %add3A_348, %mul3A_369 : vector<256x128xf32>
    %slice3A_371 = vector.extract_strided_slice %get3A_241 {offsets = [0, 128], sizes = [256, 128], strides = [1, 1]} : vector<256x256xf32> to vector<256x128xf32>
    %slice3A_372 = vector.extract_strided_slice %get3A_244 {offsets = [0, 0], sizes = [256, 128], strides = [1, 1]} : vector<256x384xf32> to vector<256x128xf32>
    %mul3A_373 = arith.mulf %slice3A_371, %slice3A_372 : vector<256x128xf32>
    %broadcast_in_dim3A_374 = vector.shape_cast %get3A_122 : vector<128xf32> to vector<1x128xf32>
    %mul3A_375 = vector.broadcast %broadcast_in_dim3A_374 : vector<1x128xf32> to vector<256x128xf32>
    %mul3A_376 = arith.mulf %mul3A_373, %mul3A_375 : vector<256x128xf32>
    %broadcast_in_dim3A_377 = vector.shape_cast %get3A_130 : vector<128xf32> to vector<1x128xf32>
    %mul3A_378 = vector.broadcast %broadcast_in_dim3A_377 : vector<1x128xf32> to vector<256x128xf32>
    %mul3A_379 = arith.mulf %mul3A_373, %mul3A_378 : vector<256x128xf32>
    %add3A_380 = arith.addf %add3A_357, %mul3A_376 : vector<256x128xf32>
    %add3A_381 = arith.addf %add3A_358, %mul3A_379 : vector<256x128xf32>
    %broadcast_in_dim3A_382 = vector.shape_cast %get3A_126 : vector<128xf32> to vector<1x128xf32>
    %mul3A_383 = vector.broadcast %broadcast_in_dim3A_382 : vector<1x128xf32> to vector<256x128xf32>
    %mul3A_384 = arith.mulf %mul3A_373, %mul3A_383 : vector<256x128xf32>
    %broadcast_in_dim3A_385 = vector.shape_cast %get3A_134 : vector<128xf32> to vector<1x128xf32>
    %mul3A_386 = vector.broadcast %broadcast_in_dim3A_385 : vector<1x128xf32> to vector<256x128xf32>
    %mul3A_387 = arith.mulf %mul3A_373, %mul3A_386 : vector<256x128xf32>
    %add3A_388 = arith.addf %add3A_365, %mul3A_384 : vector<256x128xf32>
    %add3A_389 = arith.addf %add3A_366, %mul3A_387 : vector<256x128xf32>
    %broadcast_in_dim3A_390 = vector.shape_cast %get3A_138 : vector<128xf32> to vector<1x128xf32>
    %mul3A_391 = vector.broadcast %broadcast_in_dim3A_390 : vector<1x128xf32> to vector<256x128xf32>
    %mul3A_392 = arith.mulf %mul3A_373, %mul3A_391 : vector<256x128xf32>
    %add3A_393 = arith.addf %add3A_370, %mul3A_392 : vector<256x128xf32>
    %slice3A_394 = vector.extract_strided_slice %get3A_244 {offsets = [0, 128], sizes = [256, 128], strides = [1, 1]} : vector<256x384xf32> to vector<256x128xf32>
    %mul3A_395 = arith.mulf %slice3A_371, %slice3A_394 : vector<256x128xf32>
    %broadcast_in_dim3A_396 = vector.shape_cast %get3A_142 : vector<128xf32> to vector<1x128xf32>
    %mul3A_397 = vector.broadcast %broadcast_in_dim3A_396 : vector<1x128xf32> to vector<256x128xf32>
    %mul3A_398 = arith.mulf %mul3A_395, %mul3A_397 : vector<256x128xf32>
    %broadcast_in_dim3A_399 = vector.shape_cast %get3A_150 : vector<128xf32> to vector<1x128xf32>
    %mul3A_400 = vector.broadcast %broadcast_in_dim3A_399 : vector<1x128xf32> to vector<256x128xf32>
    %mul3A_401 = arith.mulf %mul3A_395, %mul3A_400 : vector<256x128xf32>
    %add3A_402 = arith.addf %add3A_380, %mul3A_398 : vector<256x128xf32>
    %add3A_403 = arith.addf %add3A_381, %mul3A_401 : vector<256x128xf32>
    %broadcast_in_dim3A_404 = vector.shape_cast %get3A_146 : vector<128xf32> to vector<1x128xf32>
    %mul3A_405 = vector.broadcast %broadcast_in_dim3A_404 : vector<1x128xf32> to vector<256x128xf32>
    %mul3A_406 = arith.mulf %mul3A_395, %mul3A_405 : vector<256x128xf32>
    %broadcast_in_dim3A_407 = vector.shape_cast %get3A_154 : vector<128xf32> to vector<1x128xf32>
    %mul3A_408 = vector.broadcast %broadcast_in_dim3A_407 : vector<1x128xf32> to vector<256x128xf32>
    %mul3A_409 = arith.mulf %mul3A_395, %mul3A_408 : vector<256x128xf32>
    %add3A_410 = arith.addf %add3A_388, %mul3A_406 : vector<256x128xf32>
    %add3A_411 = arith.addf %add3A_389, %mul3A_409 : vector<256x128xf32>
    %broadcast_in_dim3A_412 = vector.shape_cast %get3A_158 : vector<128xf32> to vector<1x128xf32>
    %mul3A_413 = vector.broadcast %broadcast_in_dim3A_412 : vector<1x128xf32> to vector<256x128xf32>
    %mul3A_414 = arith.mulf %mul3A_395, %mul3A_413 : vector<256x128xf32>
    %add3A_415 = arith.addf %add3A_393, %mul3A_414 : vector<256x128xf32>
    %slice3A_416 = vector.extract_strided_slice %get3A_244 {offsets = [0, 256], sizes = [256, 128], strides = [1, 1]} : vector<256x384xf32> to vector<256x128xf32>
    %mul3A_417 = arith.mulf %slice3A_371, %slice3A_416 : vector<256x128xf32>
    %broadcast_in_dim3A_418 = vector.shape_cast %get3A_162 : vector<128xf32> to vector<1x128xf32>
    %mul3A_419 = vector.broadcast %broadcast_in_dim3A_418 : vector<1x128xf32> to vector<256x128xf32>
    %mul3A_420 = arith.mulf %mul3A_417, %mul3A_419 : vector<256x128xf32>
    %broadcast_in_dim3A_421 = vector.shape_cast %get3A_170 : vector<128xf32> to vector<1x128xf32>
    %mul3A_422 = vector.broadcast %broadcast_in_dim3A_421 : vector<1x128xf32> to vector<256x128xf32>
    %mul3A_423 = arith.mulf %mul3A_417, %mul3A_422 : vector<256x128xf32>
    %add3A_424 = arith.addf %add3A_402, %mul3A_420 : vector<256x128xf32>
    %add3A_425 = arith.addf %add3A_403, %mul3A_423 : vector<256x128xf32>
    %broadcast_in_dim3A_426 = vector.shape_cast %get3A_166 : vector<128xf32> to vector<1x128xf32>
    %mul3A_427 = vector.broadcast %broadcast_in_dim3A_426 : vector<1x128xf32> to vector<256x128xf32>
    %mul3A_428 = arith.mulf %mul3A_417, %mul3A_427 : vector<256x128xf32>
    %broadcast_in_dim3A_429 = vector.shape_cast %get3A_174 : vector<128xf32> to vector<1x128xf32>
    %mul3A_430 = vector.broadcast %broadcast_in_dim3A_429 : vector<1x128xf32> to vector<256x128xf32>
    %mul3A_431 = arith.mulf %mul3A_417, %mul3A_430 : vector<256x128xf32>
    %add3A_432 = arith.addf %add3A_410, %mul3A_428 : vector<256x128xf32>
    %add3A_433 = arith.addf %add3A_411, %mul3A_431 : vector<256x128xf32>
    %broadcast_in_dim3A_434 = vector.shape_cast %get3A_178 : vector<128xf32> to vector<1x128xf32>
    %mul3A_435 = vector.broadcast %broadcast_in_dim3A_434 : vector<1x128xf32> to vector<256x128xf32>
    %mul3A_436 = arith.mulf %mul3A_417, %mul3A_435 : vector<256x128xf32>
    %add3A_437 = arith.addf %add3A_415, %mul3A_436 : vector<256x128xf32>
    %slice3A_438 = vector.extract_strided_slice %slice3A_371 {offsets = [0, 64], sizes = [256, 64], strides = [1, 1]} : vector<256x128xf32> to vector<256x64xf32>
    %slice3A_439 = vector.extract_strided_slice %slice3A_371 {offsets = [0, 0], sizes = [256, 64], strides = [1, 1]} : vector<256x128xf32> to vector<256x64xf32>
    %concatenate3A_440 = tpu.concatenate %slice3A_438, %slice3A_439 in 1 : vector<256x64xf32>, vector<256x64xf32> -> vector<256x128xf32>
    %slice3A_441 = vector.extract_strided_slice %get3A_244 {offsets = [0, 0], sizes = [256, 128], strides = [1, 1]} : vector<256x384xf32> to vector<256x128xf32>
    %mul3A_442 = arith.mulf %concatenate3A_440, %slice3A_441 : vector<256x128xf32>
    %broadcast_in_dim3A_443 = vector.shape_cast %get3A_182 : vector<128xf32> to vector<1x128xf32>
    %mul3A_444 = vector.broadcast %broadcast_in_dim3A_443 : vector<1x128xf32> to vector<256x128xf32>
    %mul3A_445 = arith.mulf %mul3A_442, %mul3A_444 : vector<256x128xf32>
    %broadcast_in_dim3A_446 = vector.shape_cast %get3A_190 : vector<128xf32> to vector<1x128xf32>
    %mul3A_447 = vector.broadcast %broadcast_in_dim3A_446 : vector<1x128xf32> to vector<256x128xf32>
    %mul3A_448 = arith.mulf %mul3A_442, %mul3A_447 : vector<256x128xf32>
    %add3A_449 = arith.addf %add3A_424, %mul3A_445 : vector<256x128xf32>
    %add3A_450 = arith.addf %add3A_425, %mul3A_448 : vector<256x128xf32>
    %broadcast_in_dim3A_451 = vector.shape_cast %get3A_186 : vector<128xf32> to vector<1x128xf32>
    %mul3A_452 = vector.broadcast %broadcast_in_dim3A_451 : vector<1x128xf32> to vector<256x128xf32>
    %mul3A_453 = arith.mulf %mul3A_442, %mul3A_452 : vector<256x128xf32>
    %broadcast_in_dim3A_454 = vector.shape_cast %get3A_194 : vector<128xf32> to vector<1x128xf32>
    %mul3A_455 = vector.broadcast %broadcast_in_dim3A_454 : vector<1x128xf32> to vector<256x128xf32>
    %mul3A_456 = arith.mulf %mul3A_442, %mul3A_455 : vector<256x128xf32>
    %add3A_457 = arith.addf %add3A_432, %mul3A_453 : vector<256x128xf32>
    %add3A_458 = arith.addf %add3A_433, %mul3A_456 : vector<256x128xf32>
    %broadcast_in_dim3A_459 = vector.shape_cast %get3A_198 : vector<128xf32> to vector<1x128xf32>
    %mul3A_460 = vector.broadcast %broadcast_in_dim3A_459 : vector<1x128xf32> to vector<256x128xf32>
    %mul3A_461 = arith.mulf %mul3A_442, %mul3A_460 : vector<256x128xf32>
    %add3A_462 = arith.addf %add3A_437, %mul3A_461 : vector<256x128xf32>
    %slice3A_463 = vector.extract_strided_slice %get3A_244 {offsets = [0, 128], sizes = [256, 128], strides = [1, 1]} : vector<256x384xf32> to vector<256x128xf32>
    %mul3A_464 = arith.mulf %concatenate3A_440, %slice3A_463 : vector<256x128xf32>
    %broadcast_in_dim3A_465 = vector.shape_cast %get3A_202 : vector<128xf32> to vector<1x128xf32>
    %mul3A_466 = vector.broadcast %broadcast_in_dim3A_465 : vector<1x128xf32> to vector<256x128xf32>
    %mul3A_467 = arith.mulf %mul3A_464, %mul3A_466 : vector<256x128xf32>
    %broadcast_in_dim3A_468 = vector.shape_cast %get3A_210 : vector<128xf32> to vector<1x128xf32>
    %mul3A_469 = vector.broadcast %broadcast_in_dim3A_468 : vector<1x128xf32> to vector<256x128xf32>
    %mul3A_470 = arith.mulf %mul3A_464, %mul3A_469 : vector<256x128xf32>
    %add3A_471 = arith.addf %add3A_449, %mul3A_467 : vector<256x128xf32>
    %add3A_472 = arith.addf %add3A_450, %mul3A_470 : vector<256x128xf32>
    %broadcast_in_dim3A_473 = vector.shape_cast %get3A_206 : vector<128xf32> to vector<1x128xf32>
    %mul3A_474 = vector.broadcast %broadcast_in_dim3A_473 : vector<1x128xf32> to vector<256x128xf32>
    %mul3A_475 = arith.mulf %mul3A_464, %mul3A_474 : vector<256x128xf32>
    %broadcast_in_dim3A_476 = vector.shape_cast %get3A_214 : vector<128xf32> to vector<1x128xf32>
    %mul3A_477 = vector.broadcast %broadcast_in_dim3A_476 : vector<1x128xf32> to vector<256x128xf32>
    %mul3A_478 = arith.mulf %mul3A_464, %mul3A_477 : vector<256x128xf32>
    %add3A_479 = arith.addf %add3A_457, %mul3A_475 : vector<256x128xf32>
    %add3A_480 = arith.addf %add3A_458, %mul3A_478 : vector<256x128xf32>
    %broadcast_in_dim3A_481 = vector.shape_cast %get3A_218 : vector<128xf32> to vector<1x128xf32>
    %mul3A_482 = vector.broadcast %broadcast_in_dim3A_481 : vector<1x128xf32> to vector<256x128xf32>
    %mul3A_483 = arith.mulf %mul3A_464, %mul3A_482 : vector<256x128xf32>
    %add3A_484 = arith.addf %add3A_462, %mul3A_483 : vector<256x128xf32>
    %slice3A_485 = vector.extract_strided_slice %get3A_244 {offsets = [0, 256], sizes = [256, 128], strides = [1, 1]} : vector<256x384xf32> to vector<256x128xf32>
    %mul3A_486 = arith.mulf %concatenate3A_440, %slice3A_485 : vector<256x128xf32>
    %broadcast_in_dim3A_487 = vector.shape_cast %get3A_222 : vector<128xf32> to vector<1x128xf32>
    %mul3A_488 = vector.broadcast %broadcast_in_dim3A_487 : vector<1x128xf32> to vector<256x128xf32>
    %mul3A_489 = arith.mulf %mul3A_486, %mul3A_488 : vector<256x128xf32>
    %broadcast_in_dim3A_490 = vector.shape_cast %get3A_230 : vector<128xf32> to vector<1x128xf32>
    %mul3A_491 = vector.broadcast %broadcast_in_dim3A_490 : vector<1x128xf32> to vector<256x128xf32>
    %mul3A_492 = arith.mulf %mul3A_486, %mul3A_491 : vector<256x128xf32>
    %add3A_493 = arith.addf %add3A_471, %mul3A_489 : vector<256x128xf32>
    %add3A_494 = arith.addf %add3A_472, %mul3A_492 : vector<256x128xf32>
    %broadcast_in_dim3A_495 = vector.shape_cast %get3A_226 : vector<128xf32> to vector<1x128xf32>
    %mul3A_496 = vector.broadcast %broadcast_in_dim3A_495 : vector<1x128xf32> to vector<256x128xf32>
    %mul3A_497 = arith.mulf %mul3A_486, %mul3A_496 : vector<256x128xf32>
    %broadcast_in_dim3A_498 = vector.shape_cast %get3A_234 : vector<128xf32> to vector<1x128xf32>
    %mul3A_499 = vector.broadcast %broadcast_in_dim3A_498 : vector<1x128xf32> to vector<256x128xf32>
    %mul3A_500 = arith.mulf %mul3A_486, %mul3A_499 : vector<256x128xf32>
    %add3A_501 = arith.addf %add3A_479, %mul3A_497 : vector<256x128xf32>
    %add3A_502 = arith.addf %add3A_480, %mul3A_500 : vector<256x128xf32>
    %broadcast_in_dim3A_503 = vector.shape_cast %get3A_238 : vector<128xf32> to vector<1x128xf32>
    %mul3A_504 = vector.broadcast %broadcast_in_dim3A_503 : vector<1x128xf32> to vector<256x128xf32>
    %mul3A_505 = arith.mulf %mul3A_486, %mul3A_504 : vector<256x128xf32>
    %add3A_506 = arith.addf %add3A_484, %mul3A_505 : vector<256x128xf32>
    %slice3A_507 = vector.extract_strided_slice %add3A_494 {offsets = [0, 64], sizes = [256, 64], strides = [1, 1]} : vector<256x128xf32> to vector<256x64xf32>
    %slice3A_508 = vector.extract_strided_slice %add3A_494 {offsets = [0, 0], sizes = [256, 64], strides = [1, 1]} : vector<256x128xf32> to vector<256x64xf32>
    %concatenate3A_509 = tpu.concatenate %slice3A_507, %slice3A_508 in 1 : vector<256x64xf32>, vector<256x64xf32> -> vector<256x128xf32>
    %add3A_510 = arith.addf %add3A_493, %concatenate3A_509 : vector<256x128xf32>
    %slice3A_511 = vector.extract_strided_slice %add3A_502 {offsets = [0, 64], sizes = [256, 64], strides = [1, 1]} : vector<256x128xf32> to vector<256x64xf32>
    %slice3A_512 = vector.extract_strided_slice %add3A_502 {offsets = [0, 0], sizes = [256, 64], strides = [1, 1]} : vector<256x128xf32> to vector<256x64xf32>
    %concatenate3A_513 = tpu.concatenate %slice3A_511, %slice3A_512 in 1 : vector<256x64xf32>, vector<256x64xf32> -> vector<256x128xf32>
    %add3A_514 = arith.addf %add3A_501, %concatenate3A_513 : vector<256x128xf32>
    %concatenate3A_515 = tpu.concatenate %add3A_510, %add3A_514 in 1 : vector<256x128xf32>, vector<256x128xf32> -> vector<256x256xf32>
    %swap3A = arith.constant 0 : i32
    %swap3A_516 = arith.constant 0 : i32
    %swap3A_517 = tpu.memref_slice %arg4[%swap3A, %swap3A_516] : memref<1024x320xf32, #tpu.memory_space<vmem>> -> memref<256x320xf32, #tpu.memory_space<vmem>>
    %swap3A_518 = arith.constant 0 : index
    %swap3A_519 = arith.constant 0 : index
    %swap3A_520 = vector.load %swap3A_517[%swap3A_518, %swap3A_519] : memref<256x320xf32, #tpu.memory_space<vmem>>, vector<256x256xf32>
    tpu.vector_store %swap3A_517[%swap3A_518, %swap3A_519], %concatenate3A_515 {strides = array<i32>} : memref<256x320xf32, #tpu.memory_space<vmem>>, vector<256x256xf32>,
    %slice3A_521 = vector.extract_strided_slice %add3A_506 {offsets = [0, 0], sizes = [256, 64], strides = [1, 1]} : vector<256x128xf32> to vector<256x64xf32>
    %slice3A_522 = vector.extract_strided_slice %add3A_506 {offsets = [0, 64], sizes = [256, 64], strides = [1, 1]} : vector<256x128xf32> to vector<256x64xf32>
    %add3A_523 = arith.addf %slice3A_521, %slice3A_522 : vector<256x64xf32>
    %swap3A_524 = arith.constant 0 : i32
    %swap3A_525 = arith.constant 0 : i32
    %swap3A_526 = tpu.memref_slice %arg4[%swap3A_524, %swap3A_525] : memref<1024x320xf32, #tpu.memory_space<vmem>> -> memref<256x320xf32, #tpu.memory_space<vmem>>
    %swap3A_527 = arith.constant 0 : index
    %swap3A_528 = arith.constant 256 : index
    %swap3A_529 = vector.load %swap3A_526[%swap3A_527, %swap3A_528] : memref<256x320xf32, #tpu.memory_space<vmem>>, vector<256x64xf32>
    tpu.vector_store %swap3A_526[%swap3A_527, %swap3A_528], %add3A_523 {strides = array<i32>} : memref<256x320xf32, #tpu.memory_space<vmem>>, vector<256x64xf32>,
    %get3A_530 = arith.constant 256 : index
    %get3A_531 = arith.constant 0 : index
    %get3A_532 = vector.load %arg2[%get3A_530, %get3A_531] : memref<1024x256xf32, #tpu.memory_space<vmem>>, vector<256x256xf32>
    %get3A_533 = arith.constant 256 : index
    %get3A_534 = arith.constant 0 : index
    %get3A_535 = vector.load %arg3[%get3A_533, %get3A_534] : memref<1024x384xf32, #tpu.memory_space<vmem>>, vector<256x384xf32>
    %slice3A_536 = vector.extract_strided_slice %get3A_532 {offsets = [0, 0], sizes = [256, 128], strides = [1, 1]} : vector<256x256xf32> to vector<256x128xf32>
    %slice3A_537 = vector.extract_strided_slice %get3A_535 {offsets = [0, 0], sizes = [256, 128], strides = [1, 1]} : vector<256x384xf32> to vector<256x128xf32>
    %mul3A_538 = arith.mulf %slice3A_536, %slice3A_537 : vector<256x128xf32>
    %broadcast_in_dim3A_539 = vector.shape_cast %get3A_2 : vector<128xf32> to vector<1x128xf32>
    %mul3A_540 = vector.broadcast %broadcast_in_dim3A_539 : vector<1x128xf32> to vector<256x128xf32>
    %mul3A_541 = arith.mulf %mul3A_538, %mul3A_540 : vector<256x128xf32>
    %broadcast_in_dim3A_542 = vector.shape_cast %get3A_10 : vector<128xf32> to vector<1x128xf32>
    %mul3A_543 = vector.broadcast %broadcast_in_dim3A_542 : vector<1x128xf32> to vector<256x128xf32>
    %mul3A_544 = arith.mulf %mul3A_538, %mul3A_543 : vector<256x128xf32>
    %broadcast_in_dim3A_545 = vector.shape_cast %get3A_6 : vector<128xf32> to vector<1x128xf32>
    %mul3A_546 = vector.broadcast %broadcast_in_dim3A_545 : vector<1x128xf32> to vector<256x128xf32>
    %mul3A_547 = arith.mulf %mul3A_538, %mul3A_546 : vector<256x128xf32>
    %broadcast_in_dim3A_548 = vector.shape_cast %get3A_14 : vector<128xf32> to vector<1x128xf32>
    %mul3A_549 = vector.broadcast %broadcast_in_dim3A_548 : vector<1x128xf32> to vector<256x128xf32>
    %mul3A_550 = arith.mulf %mul3A_538, %mul3A_549 : vector<256x128xf32>
    %broadcast_in_dim3A_551 = vector.shape_cast %get3A_18 : vector<128xf32> to vector<1x128xf32>
    %mul3A_552 = vector.broadcast %broadcast_in_dim3A_551 : vector<1x128xf32> to vector<256x128xf32>
    %mul3A_553 = arith.mulf %mul3A_538, %mul3A_552 : vector<256x128xf32>
    %slice3A_554 = vector.extract_strided_slice %get3A_535 {offsets = [0, 128], sizes = [256, 128], strides = [1, 1]} : vector<256x384xf32> to vector<256x128xf32>
    %mul3A_555 = arith.mulf %slice3A_536, %slice3A_554 : vector<256x128xf32>
    %broadcast_in_dim3A_556 = vector.shape_cast %get3A_22 : vector<128xf32> to vector<1x128xf32>
    %mul3A_557 = vector.broadcast %broadcast_in_dim3A_556 : vector<1x128xf32> to vector<256x128xf32>
    %mul3A_558 = arith.mulf %mul3A_555, %mul3A_557 : vector<256x128xf32>
    %broadcast_in_dim3A_559 = vector.shape_cast %get3A_30 : vector<128xf32> to vector<1x128xf32>
    %mul3A_560 = vector.broadcast %broadcast_in_dim3A_559 : vector<1x128xf32> to vector<256x128xf32>
    %mul3A_561 = arith.mulf %mul3A_555, %mul3A_560 : vector<256x128xf32>
    %add3A_562 = arith.addf %mul3A_541, %mul3A_558 : vector<256x128xf32>
    %add3A_563 = arith.addf %mul3A_544, %mul3A_561 : vector<256x128xf32>
    %broadcast_in_dim3A_564 = vector.shape_cast %get3A_26 : vector<128xf32> to vector<1x128xf32>
    %mul3A_565 = vector.broadcast %broadcast_in_dim3A_564 : vector<1x128xf32> to vector<256x128xf32>
    %mul3A_566 = arith.mulf %mul3A_555, %mul3A_565 : vector<256x128xf32>
    %broadcast_in_dim3A_567 = vector.shape_cast %get3A_34 : vector<128xf32> to vector<1x128xf32>
    %mul3A_568 = vector.broadcast %broadcast_in_dim3A_567 : vector<1x128xf32> to vector<256x128xf32>
    %mul3A_569 = arith.mulf %mul3A_555, %mul3A_568 : vector<256x128xf32>
    %add3A_570 = arith.addf %mul3A_547, %mul3A_566 : vector<256x128xf32>
    %add3A_571 = arith.addf %mul3A_550, %mul3A_569 : vector<256x128xf32>
    %broadcast_in_dim3A_572 = vector.shape_cast %get3A_38 : vector<128xf32> to vector<1x128xf32>
    %mul3A_573 = vector.broadcast %broadcast_in_dim3A_572 : vector<1x128xf32> to vector<256x128xf32>
    %mul3A_574 = arith.mulf %mul3A_555, %mul3A_573 : vector<256x128xf32>
    %add3A_575 = arith.addf %mul3A_553, %mul3A_574 : vector<256x128xf32>
    %slice3A_576 = vector.extract_strided_slice %get3A_535 {offsets = [0, 256], sizes = [256, 128], strides = [1, 1]} : vector<256x384xf32> to vector<256x128xf32>
    %mul3A_577 = arith.mulf %slice3A_536, %slice3A_576 : vector<256x128xf32>
    %broadcast_in_dim3A_578 = vector.shape_cast %get3A_42 : vector<128xf32> to vector<1x128xf32>
    %mul3A_579 = vector.broadcast %broadcast_in_dim3A_578 : vector<1x128xf32> to vector<256x128xf32>
    %mul3A_580 = arith.mulf %mul3A_577, %mul3A_579 : vector<256x128xf32>
    %broadcast_in_dim3A_581 = vector.shape_cast %get3A_50 : vector<128xf32> to vector<1x128xf32>
    %mul3A_582 = vector.broadcast %broadcast_in_dim3A_581 : vector<1x128xf32> to vector<256x128xf32>
    %mul3A_583 = arith.mulf %mul3A_577, %mul3A_582 : vector<256x128xf32>
    %add3A_584 = arith.addf %add3A_562, %mul3A_580 : vector<256x128xf32>
    %add3A_585 = arith.addf %add3A_563, %mul3A_583 : vector<256x128xf32>
    %broadcast_in_dim3A_586 = vector.shape_cast %get3A_46 : vector<128xf32> to vector<1x128xf32>
    %mul3A_587 = vector.broadcast %broadcast_in_dim3A_586 : vector<1x128xf32> to vector<256x128xf32>
    %mul3A_588 = arith.mulf %mul3A_577, %mul3A_587 : vector<256x128xf32>
    %broadcast_in_dim3A_589 = vector.shape_cast %get3A_54 : vector<128xf32> to vector<1x128xf32>
    %mul3A_590 = vector.broadcast %broadcast_in_dim3A_589 : vector<1x128xf32> to vector<256x128xf32>
    %mul3A_591 = arith.mulf %mul3A_577, %mul3A_590 : vector<256x128xf32>
    %add3A_592 = arith.addf %add3A_570, %mul3A_588 : vector<256x128xf32>
    %add3A_593 = arith.addf %add3A_571, %mul3A_591 : vector<256x128xf32>
    %broadcast_in_dim3A_594 = vector.shape_cast %get3A_58 : vector<128xf32> to vector<1x128xf32>
    %mul3A_595 = vector.broadcast %broadcast_in_dim3A_594 : vector<1x128xf32> to vector<256x128xf32>
    %mul3A_596 = arith.mulf %mul3A_577, %mul3A_595 : vector<256x128xf32>
    %add3A_597 = arith.addf %add3A_575, %mul3A_596 : vector<256x128xf32>
    %slice3A_598 = vector.extract_strided_slice %slice3A_536 {offsets = [0, 64], sizes = [256, 64], strides = [1, 1]} : vector<256x128xf32> to vector<256x64xf32>
    %slice3A_599 = vector.extract_strided_slice %slice3A_536 {offsets = [0, 0], sizes = [256, 64], strides = [1, 1]} : vector<256x128xf32> to vector<256x64xf32>
    %concatenate3A_600 = tpu.concatenate %slice3A_598, %slice3A_599 in 1 : vector<256x64xf32>, vector<256x64xf32> -> vector<256x128xf32>
    %slice3A_601 = vector.extract_strided_slice %get3A_535 {offsets = [0, 0], sizes = [256, 128], strides = [1, 1]} : vector<256x384xf32> to vector<256x128xf32>
    %mul3A_602 = arith.mulf %concatenate3A_600, %slice3A_601 : vector<256x128xf32>
    %broadcast_in_dim3A_603 = vector.shape_cast %get3A_62 : vector<128xf32> to vector<1x128xf32>
    %mul3A_604 = vector.broadcast %broadcast_in_dim3A_603 : vector<1x128xf32> to vector<256x128xf32>
    %mul3A_605 = arith.mulf %mul3A_602, %mul3A_604 : vector<256x128xf32>
    %broadcast_in_dim3A_606 = vector.shape_cast %get3A_70 : vector<128xf32> to vector<1x128xf32>
    %mul3A_607 = vector.broadcast %broadcast_in_dim3A_606 : vector<1x128xf32> to vector<256x128xf32>
    %mul3A_608 = arith.mulf %mul3A_602, %mul3A_607 : vector<256x128xf32>
    %add3A_609 = arith.addf %add3A_584, %mul3A_605 : vector<256x128xf32>
    %add3A_610 = arith.addf %add3A_585, %mul3A_608 : vector<256x128xf32>
    %broadcast_in_dim3A_611 = vector.shape_cast %get3A_66 : vector<128xf32> to vector<1x128xf32>
    %mul3A_612 = vector.broadcast %broadcast_in_dim3A_611 : vector<1x128xf32> to vector<256x128xf32>
    %mul3A_613 = arith.mulf %mul3A_602, %mul3A_612 : vector<256x128xf32>
    %broadcast_in_dim3A_614 = vector.shape_cast %get3A_74 : vector<128xf32> to vector<1x128xf32>
    %mul3A_615 = vector.broadcast %broadcast_in_dim3A_614 : vector<1x128xf32> to vector<256x128xf32>
    %mul3A_616 = arith.mulf %mul3A_602, %mul3A_615 : vector<256x128xf32>
    %add3A_617 = arith.addf %add3A_592, %mul3A_613 : vector<256x128xf32>
    %add3A_618 = arith.addf %add3A_593, %mul3A_616 : vector<256x128xf32>
    %broadcast_in_dim3A_619 = vector.shape_cast %get3A_78 : vector<128xf32> to vector<1x128xf32>
    %mul3A_620 = vector.broadcast %broadcast_in_dim3A_619 : vector<1x128xf32> to vector<256x128xf32>
    %mul3A_621 = arith.mulf %mul3A_602, %mul3A_620 : vector<256x128xf32>
    %add3A_622 = arith.addf %add3A_597, %mul3A_621 : vector<256x128xf32>
    %slice3A_623 = vector.extract_strided_slice %get3A_535 {offsets = [0, 128], sizes = [256, 128], strides = [1, 1]} : vector<256x384xf32> to vector<256x128xf32>
    %mul3A_624 = arith.mulf %concatenate3A_600, %slice3A_623 : vector<256x128xf32>
    %broadcast_in_dim3A_625 = vector.shape_cast %get3A_82 : vector<128xf32> to vector<1x128xf32>
    %mul3A_626 = vector.broadcast %broadcast_in_dim3A_625 : vector<1x128xf32> to vector<256x128xf32>
    %mul3A_627 = arith.mulf %mul3A_624, %mul3A_626 : vector<256x128xf32>
    %broadcast_in_dim3A_628 = vector.shape_cast %get3A_90 : vector<128xf32> to vector<1x128xf32>
    %mul3A_629 = vector.broadcast %broadcast_in_dim3A_628 : vector<1x128xf32> to vector<256x128xf32>
    %mul3A_630 = arith.mulf %mul3A_624, %mul3A_629 : vector<256x128xf32>
    %add3A_631 = arith.addf %add3A_609, %mul3A_627 : vector<256x128xf32>
    %add3A_632 = arith.addf %add3A_610, %mul3A_630 : vector<256x128xf32>
    %broadcast_in_dim3A_633 = vector.shape_cast %get3A_86 : vector<128xf32> to vector<1x128xf32>
    %mul3A_634 = vector.broadcast %broadcast_in_dim3A_633 : vector<1x128xf32> to vector<256x128xf32>
    %mul3A_635 = arith.mulf %mul3A_624, %mul3A_634 : vector<256x128xf32>
    %broadcast_in_dim3A_636 = vector.shape_cast %get3A_94 : vector<128xf32> to vector<1x128xf32>
    %mul3A_637 = vector.broadcast %broadcast_in_dim3A_636 : vector<1x128xf32> to vector<256x128xf32>
    %mul3A_638 = arith.mulf %mul3A_624, %mul3A_637 : vector<256x128xf32>
    %add3A_639 = arith.addf %add3A_617, %mul3A_635 : vector<256x128xf32>
    %add3A_640 = arith.addf %add3A_618, %mul3A_638 : vector<256x128xf32>
    %broadcast_in_dim3A_641 = vector.shape_cast %get3A_98 : vector<128xf32> to vector<1x128xf32>
    %mul3A_642 = vector.broadcast %broadcast_in_dim3A_641 : vector<1x128xf32> to vector<256x128xf32>
    %mul3A_643 = arith.mulf %mul3A_624, %mul3A_642 : vector<256x128xf32>
    %add3A_644 = arith.addf %add3A_622, %mul3A_643 : vector<256x128xf32>
    %slice3A_645 = vector.extract_strided_slice %get3A_535 {offsets = [0, 256], sizes = [256, 128], strides = [1, 1]} : vector<256x384xf32> to vector<256x128xf32>
    %mul3A_646 = arith.mulf %concatenate3A_600, %slice3A_645 : vector<256x128xf32>
    %broadcast_in_dim3A_647 = vector.shape_cast %get3A_102 : vector<128xf32> to vector<1x128xf32>
    %mul3A_648 = vector.broadcast %broadcast_in_dim3A_647 : vector<1x128xf32> to vector<256x128xf32>
    %mul3A_649 = arith.mulf %mul3A_646, %mul3A_648 : vector<256x128xf32>
    %broadcast_in_dim3A_650 = vector.shape_cast %get3A_110 : vector<128xf32> to vector<1x128xf32>
    %mul3A_651 = vector.broadcast %broadcast_in_dim3A_650 : vector<1x128xf32> to vector<256x128xf32>
    %mul3A_652 = arith.mulf %mul3A_646, %mul3A_651 : vector<256x128xf32>
    %add3A_653 = arith.addf %add3A_631, %mul3A_649 : vector<256x128xf32>
    %add3A_654 = arith.addf %add3A_632, %mul3A_652 : vector<256x128xf32>
    %broadcast_in_dim3A_655 = vector.shape_cast %get3A_106 : vector<128xf32> to vector<1x128xf32>
    %mul3A_656 = vector.broadcast %broadcast_in_dim3A_655 : vector<1x128xf32> to vector<256x128xf32>
    %mul3A_657 = arith.mulf %mul3A_646, %mul3A_656 : vector<256x128xf32>
    %broadcast_in_dim3A_658 = vector.shape_cast %get3A_114 : vector<128xf32> to vector<1x128xf32>
    %mul3A_659 = vector.broadcast %broadcast_in_dim3A_658 : vector<1x128xf32> to vector<256x128xf32>
    %mul3A_660 = arith.mulf %mul3A_646, %mul3A_659 : vector<256x128xf32>
    %add3A_661 = arith.addf %add3A_639, %mul3A_657 : vector<256x128xf32>
    %add3A_662 = arith.addf %add3A_640, %mul3A_660 : vector<256x128xf32>
    %broadcast_in_dim3A_663 = vector.shape_cast %get3A_118 : vector<128xf32> to vector<1x128xf32>
    %mul3A_664 = vector.broadcast %broadcast_in_dim3A_663 : vector<1x128xf32> to vector<256x128xf32>
    %mul3A_665 = arith.mulf %mul3A_646, %mul3A_664 : vector<256x128xf32>
    %add3A_666 = arith.addf %add3A_644, %mul3A_665 : vector<256x128xf32>
    %slice3A_667 = vector.extract_strided_slice %get3A_532 {offsets = [0, 128], sizes = [256, 128], strides = [1, 1]} : vector<256x256xf32> to vector<256x128xf32>
    %slice3A_668 = vector.extract_strided_slice %get3A_535 {offsets = [0, 0], sizes = [256, 128], strides = [1, 1]} : vector<256x384xf32> to vector<256x128xf32>
    %mul3A_669 = arith.mulf %slice3A_667, %slice3A_668 : vector<256x128xf32>
    %broadcast_in_dim3A_670 = vector.shape_cast %get3A_122 : vector<128xf32> to vector<1x128xf32>
    %mul3A_671 = vector.broadcast %broadcast_in_dim3A_670 : vector<1x128xf32> to vector<256x128xf32>
    %mul3A_672 = arith.mulf %mul3A_669, %mul3A_671 : vector<256x128xf32>
    %broadcast_in_dim3A_673 = vector.shape_cast %get3A_130 : vector<128xf32> to vector<1x128xf32>
    %mul3A_674 = vector.broadcast %broadcast_in_dim3A_673 : vector<1x128xf32> to vector<256x128xf32>
    %mul3A_675 = arith.mulf %mul3A_669, %mul3A_674 : vector<256x128xf32>
    %add3A_676 = arith.addf %add3A_653, %mul3A_672 : vector<256x128xf32>
    %add3A_677 = arith.addf %add3A_654, %mul3A_675 : vector<256x128xf32>
    %broadcast_in_dim3A_678 = vector.shape_cast %get3A_126 : vector<128xf32> to vector<1x128xf32>
    %mul3A_679 = vector.broadcast %broadcast_in_dim3A_678 : vector<1x128xf32> to vector<256x128xf32>
    %mul3A_680 = arith.mulf %mul3A_669, %mul3A_679 : vector<256x128xf32>
    %broadcast_in_dim3A_681 = vector.shape_cast %get3A_134 : vector<128xf32> to vector<1x128xf32>
    %mul3A_682 = vector.broadcast %broadcast_in_dim3A_681 : vector<1x128xf32> to vector<256x128xf32>
    %mul3A_683 = arith.mulf %mul3A_669, %mul3A_682 : vector<256x128xf32>
    %add3A_684 = arith.addf %add3A_661, %mul3A_680 : vector<256x128xf32>
    %add3A_685 = arith.addf %add3A_662, %mul3A_683 : vector<256x128xf32>
    %broadcast_in_dim3A_686 = vector.shape_cast %get3A_138 : vector<128xf32> to vector<1x128xf32>
    %mul3A_687 = vector.broadcast %broadcast_in_dim3A_686 : vector<1x128xf32> to vector<256x128xf32>
    %mul3A_688 = arith.mulf %mul3A_669, %mul3A_687 : vector<256x128xf32>
    %add3A_689 = arith.addf %add3A_666, %mul3A_688 : vector<256x128xf32>
    %slice3A_690 = vector.extract_strided_slice %get3A_535 {offsets = [0, 128], sizes = [256, 128], strides = [1, 1]} : vector<256x384xf32> to vector<256x128xf32>
    %mul3A_691 = arith.mulf %slice3A_667, %slice3A_690 : vector<256x128xf32>
    %broadcast_in_dim3A_692 = vector.shape_cast %get3A_142 : vector<128xf32> to vector<1x128xf32>
    %mul3A_693 = vector.broadcast %broadcast_in_dim3A_692 : vector<1x128xf32> to vector<256x128xf32>
    %mul3A_694 = arith.mulf %mul3A_691, %mul3A_693 : vector<256x128xf32>
    %broadcast_in_dim3A_695 = vector.shape_cast %get3A_150 : vector<128xf32> to vector<1x128xf32>
    %mul3A_696 = vector.broadcast %broadcast_in_dim3A_695 : vector<1x128xf32> to vector<256x128xf32>
    %mul3A_697 = arith.mulf %mul3A_691, %mul3A_696 : vector<256x128xf32>
    %add3A_698 = arith.addf %add3A_676, %mul3A_694 : vector<256x128xf32>
    %add3A_699 = arith.addf %add3A_677, %mul3A_697 : vector<256x128xf32>
    %broadcast_in_dim3A_700 = vector.shape_cast %get3A_146 : vector<128xf32> to vector<1x128xf32>
    %mul3A_701 = vector.broadcast %broadcast_in_dim3A_700 : vector<1x128xf32> to vector<256x128xf32>
    %mul3A_702 = arith.mulf %mul3A_691, %mul3A_701 : vector<256x128xf32>
    %broadcast_in_dim3A_703 = vector.shape_cast %get3A_154 : vector<128xf32> to vector<1x128xf32>
    %mul3A_704 = vector.broadcast %broadcast_in_dim3A_703 : vector<1x128xf32> to vector<256x128xf32>
    %mul3A_705 = arith.mulf %mul3A_691, %mul3A_704 : vector<256x128xf32>
    %add3A_706 = arith.addf %add3A_684, %mul3A_702 : vector<256x128xf32>
    %add3A_707 = arith.addf %add3A_685, %mul3A_705 : vector<256x128xf32>
    %broadcast_in_dim3A_708 = vector.shape_cast %get3A_158 : vector<128xf32> to vector<1x128xf32>
    %mul3A_709 = vector.broadcast %broadcast_in_dim3A_708 : vector<1x128xf32> to vector<256x128xf32>
    %mul3A_710 = arith.mulf %mul3A_691, %mul3A_709 : vector<256x128xf32>
    %add3A_711 = arith.addf %add3A_689, %mul3A_710 : vector<256x128xf32>
    %slice3A_712 = vector.extract_strided_slice %get3A_535 {offsets = [0, 256], sizes = [256, 128], strides = [1, 1]} : vector<256x384xf32> to vector<256x128xf32>
    %mul3A_713 = arith.mulf %slice3A_667, %slice3A_712 : vector<256x128xf32>
    %broadcast_in_dim3A_714 = vector.shape_cast %get3A_162 : vector<128xf32> to vector<1x128xf32>
    %mul3A_715 = vector.broadcast %broadcast_in_dim3A_714 : vector<1x128xf32> to vector<256x128xf32>
    %mul3A_716 = arith.mulf %mul3A_713, %mul3A_715 : vector<256x128xf32>
    %broadcast_in_dim3A_717 = vector.shape_cast %get3A_170 : vector<128xf32> to vector<1x128xf32>
    %mul3A_718 = vector.broadcast %broadcast_in_dim3A_717 : vector<1x128xf32> to vector<256x128xf32>
    %mul3A_719 = arith.mulf %mul3A_713, %mul3A_718 : vector<256x128xf32>
    %add3A_720 = arith.addf %add3A_698, %mul3A_716 : vector<256x128xf32>
    %add3A_721 = arith.addf %add3A_699, %mul3A_719 : vector<256x128xf32>
    %broadcast_in_dim3A_722 = vector.shape_cast %get3A_166 : vector<128xf32> to vector<1x128xf32>
    %mul3A_723 = vector.broadcast %broadcast_in_dim3A_722 : vector<1x128xf32> to vector<256x128xf32>
    %mul3A_724 = arith.mulf %mul3A_713, %mul3A_723 : vector<256x128xf32>
    %broadcast_in_dim3A_725 = vector.shape_cast %get3A_174 : vector<128xf32> to vector<1x128xf32>
    %mul3A_726 = vector.broadcast %broadcast_in_dim3A_725 : vector<1x128xf32> to vector<256x128xf32>
    %mul3A_727 = arith.mulf %mul3A_713, %mul3A_726 : vector<256x128xf32>
    %add3A_728 = arith.addf %add3A_706, %mul3A_724 : vector<256x128xf32>
    %add3A_729 = arith.addf %add3A_707, %mul3A_727 : vector<256x128xf32>
    %broadcast_in_dim3A_730 = vector.shape_cast %get3A_178 : vector<128xf32> to vector<1x128xf32>
    %mul3A_731 = vector.broadcast %broadcast_in_dim3A_730 : vector<1x128xf32> to vector<256x128xf32>
    %mul3A_732 = arith.mulf %mul3A_713, %mul3A_731 : vector<256x128xf32>
    %add3A_733 = arith.addf %add3A_711, %mul3A_732 : vector<256x128xf32>
    %slice3A_734 = vector.extract_strided_slice %slice3A_667 {offsets = [0, 64], sizes = [256, 64], strides = [1, 1]} : vector<256x128xf32> to vector<256x64xf32>
    %slice3A_735 = vector.extract_strided_slice %slice3A_667 {offsets = [0, 0], sizes = [256, 64], strides = [1, 1]} : vector<256x128xf32> to vector<256x64xf32>
    %concatenate3A_736 = tpu.concatenate %slice3A_734, %slice3A_735 in 1 : vector<256x64xf32>, vector<256x64xf32> -> vector<256x128xf32>
    %slice3A_737 = vector.extract_strided_slice %get3A_535 {offsets = [0, 0], sizes = [256, 128], strides = [1, 1]} : vector<256x384xf32> to vector<256x128xf32>
    %mul3A_738 = arith.mulf %concatenate3A_736, %slice3A_737 : vector<256x128xf32>
    %broadcast_in_dim3A_739 = vector.shape_cast %get3A_182 : vector<128xf32> to vector<1x128xf32>
    %mul3A_740 = vector.broadcast %broadcast_in_dim3A_739 : vector<1x128xf32> to vector<256x128xf32>
    %mul3A_741 = arith.mulf %mul3A_738, %mul3A_740 : vector<256x128xf32>
    %broadcast_in_dim3A_742 = vector.shape_cast %get3A_190 : vector<128xf32> to vector<1x128xf32>
    %mul3A_743 = vector.broadcast %broadcast_in_dim3A_742 : vector<1x128xf32> to vector<256x128xf32>
    %mul3A_744 = arith.mulf %mul3A_738, %mul3A_743 : vector<256x128xf32>
    %add3A_745 = arith.addf %add3A_720, %mul3A_741 : vector<256x128xf32>
    %add3A_746 = arith.addf %add3A_721, %mul3A_744 : vector<256x128xf32>
    %broadcast_in_dim3A_747 = vector.shape_cast %get3A_186 : vector<128xf32> to vector<1x128xf32>
    %mul3A_748 = vector.broadcast %broadcast_in_dim3A_747 : vector<1x128xf32> to vector<256x128xf32>
    %mul3A_749 = arith.mulf %mul3A_738, %mul3A_748 : vector<256x128xf32>
    %broadcast_in_dim3A_750 = vector.shape_cast %get3A_194 : vector<128xf32> to vector<1x128xf32>
    %mul3A_751 = vector.broadcast %broadcast_in_dim3A_750 : vector<1x128xf32> to vector<256x128xf32>
    %mul3A_752 = arith.mulf %mul3A_738, %mul3A_751 : vector<256x128xf32>
    %add3A_753 = arith.addf %add3A_728, %mul3A_749 : vector<256x128xf32>
    %add3A_754 = arith.addf %add3A_729, %mul3A_752 : vector<256x128xf32>
    %broadcast_in_dim3A_755 = vector.shape_cast %get3A_198 : vector<128xf32> to vector<1x128xf32>
    %mul3A_756 = vector.broadcast %broadcast_in_dim3A_755 : vector<1x128xf32> to vector<256x128xf32>
    %mul3A_757 = arith.mulf %mul3A_738, %mul3A_756 : vector<256x128xf32>
    %add3A_758 = arith.addf %add3A_733, %mul3A_757 : vector<256x128xf32>
    %slice3A_759 = vector.extract_strided_slice %get3A_535 {offsets = [0, 128], sizes = [256, 128], strides = [1, 1]} : vector<256x384xf32> to vector<256x128xf32>
    %mul3A_760 = arith.mulf %concatenate3A_736, %slice3A_759 : vector<256x128xf32>
    %broadcast_in_dim3A_761 = vector.shape_cast %get3A_202 : vector<128xf32> to vector<1x128xf32>
    %mul3A_762 = vector.broadcast %broadcast_in_dim3A_761 : vector<1x128xf32> to vector<256x128xf32>
    %mul3A_763 = arith.mulf %mul3A_760, %mul3A_762 : vector<256x128xf32>
    %broadcast_in_dim3A_764 = vector.shape_cast %get3A_210 : vector<128xf32> to vector<1x128xf32>
    %mul3A_765 = vector.broadcast %broadcast_in_dim3A_764 : vector<1x128xf32> to vector<256x128xf32>
    %mul3A_766 = arith.mulf %mul3A_760, %mul3A_765 : vector<256x128xf32>
    %add3A_767 = arith.addf %add3A_745, %mul3A_763 : vector<256x128xf32>
    %add3A_768 = arith.addf %add3A_746, %mul3A_766 : vector<256x128xf32>
    %broadcast_in_dim3A_769 = vector.shape_cast %get3A_206 : vector<128xf32> to vector<1x128xf32>
    %mul3A_770 = vector.broadcast %broadcast_in_dim3A_769 : vector<1x128xf32> to vector<256x128xf32>
    %mul3A_771 = arith.mulf %mul3A_760, %mul3A_770 : vector<256x128xf32>
    %broadcast_in_dim3A_772 = vector.shape_cast %get3A_214 : vector<128xf32> to vector<1x128xf32>
    %mul3A_773 = vector.broadcast %broadcast_in_dim3A_772 : vector<1x128xf32> to vector<256x128xf32>
    %mul3A_774 = arith.mulf %mul3A_760, %mul3A_773 : vector<256x128xf32>
    %add3A_775 = arith.addf %add3A_753, %mul3A_771 : vector<256x128xf32>
    %add3A_776 = arith.addf %add3A_754, %mul3A_774 : vector<256x128xf32>
    %broadcast_in_dim3A_777 = vector.shape_cast %get3A_218 : vector<128xf32> to vector<1x128xf32>
    %mul3A_778 = vector.broadcast %broadcast_in_dim3A_777 : vector<1x128xf32> to vector<256x128xf32>
    %mul3A_779 = arith.mulf %mul3A_760, %mul3A_778 : vector<256x128xf32>
    %add3A_780 = arith.addf %add3A_758, %mul3A_779 : vector<256x128xf32>
    %slice3A_781 = vector.extract_strided_slice %get3A_535 {offsets = [0, 256], sizes = [256, 128], strides = [1, 1]} : vector<256x384xf32> to vector<256x128xf32>
    %mul3A_782 = arith.mulf %concatenate3A_736, %slice3A_781 : vector<256x128xf32>
    %broadcast_in_dim3A_783 = vector.shape_cast %get3A_222 : vector<128xf32> to vector<1x128xf32>
    %mul3A_784 = vector.broadcast %broadcast_in_dim3A_783 : vector<1x128xf32> to vector<256x128xf32>
    %mul3A_785 = arith.mulf %mul3A_782, %mul3A_784 : vector<256x128xf32>
    %broadcast_in_dim3A_786 = vector.shape_cast %get3A_230 : vector<128xf32> to vector<1x128xf32>
    %mul3A_787 = vector.broadcast %broadcast_in_dim3A_786 : vector<1x128xf32> to vector<256x128xf32>
    %mul3A_788 = arith.mulf %mul3A_782, %mul3A_787 : vector<256x128xf32>
    %add3A_789 = arith.addf %add3A_767, %mul3A_785 : vector<256x128xf32>
    %add3A_790 = arith.addf %add3A_768, %mul3A_788 : vector<256x128xf32>
    %broadcast_in_dim3A_791 = vector.shape_cast %get3A_226 : vector<128xf32> to vector<1x128xf32>
    %mul3A_792 = vector.broadcast %broadcast_in_dim3A_791 : vector<1x128xf32> to vector<256x128xf32>
    %mul3A_793 = arith.mulf %mul3A_782, %mul3A_792 : vector<256x128xf32>
    %broadcast_in_dim3A_794 = vector.shape_cast %get3A_234 : vector<128xf32> to vector<1x128xf32>
    %mul3A_795 = vector.broadcast %broadcast_in_dim3A_794 : vector<1x128xf32> to vector<256x128xf32>
    %mul3A_796 = arith.mulf %mul3A_782, %mul3A_795 : vector<256x128xf32>
    %add3A_797 = arith.addf %add3A_775, %mul3A_793 : vector<256x128xf32>
    %add3A_798 = arith.addf %add3A_776, %mul3A_796 : vector<256x128xf32>
    %broadcast_in_dim3A_799 = vector.shape_cast %get3A_238 : vector<128xf32> to vector<1x128xf32>
    %mul3A_800 = vector.broadcast %broadcast_in_dim3A_799 : vector<1x128xf32> to vector<256x128xf32>
    %mul3A_801 = arith.mulf %mul3A_782, %mul3A_800 : vector<256x128xf32>
    %add3A_802 = arith.addf %add3A_780, %mul3A_801 : vector<256x128xf32>
    %slice3A_803 = vector.extract_strided_slice %add3A_790 {offsets = [0, 64], sizes = [256, 64], strides = [1, 1]} : vector<256x128xf32> to vector<256x64xf32>
    %slice3A_804 = vector.extract_strided_slice %add3A_790 {offsets = [0, 0], sizes = [256, 64], strides = [1, 1]} : vector<256x128xf32> to vector<256x64xf32>
    %concatenate3A_805 = tpu.concatenate %slice3A_803, %slice3A_804 in 1 : vector<256x64xf32>, vector<256x64xf32> -> vector<256x128xf32>
    %add3A_806 = arith.addf %add3A_789, %concatenate3A_805 : vector<256x128xf32>
    %slice3A_807 = vector.extract_strided_slice %add3A_798 {offsets = [0, 64], sizes = [256, 64], strides = [1, 1]} : vector<256x128xf32> to vector<256x64xf32>
    %slice3A_808 = vector.extract_strided_slice %add3A_798 {offsets = [0, 0], sizes = [256, 64], strides = [1, 1]} : vector<256x128xf32> to vector<256x64xf32>
    %concatenate3A_809 = tpu.concatenate %slice3A_807, %slice3A_808 in 1 : vector<256x64xf32>, vector<256x64xf32> -> vector<256x128xf32>
    %add3A_810 = arith.addf %add3A_797, %concatenate3A_809 : vector<256x128xf32>
    %concatenate3A_811 = tpu.concatenate %add3A_806, %add3A_810 in 1 : vector<256x128xf32>, vector<256x128xf32> -> vector<256x256xf32>
    %swap3A_812 = arith.constant 256 : i32
    %swap3A_813 = arith.constant 0 : i32
    %swap3A_814 = tpu.memref_slice %arg4[%swap3A_812, %swap3A_813] : memref<1024x320xf32, #tpu.memory_space<vmem>> -> memref<256x320xf32, #tpu.memory_space<vmem>>
    %swap3A_815 = arith.constant 0 : index
    %swap3A_816 = arith.constant 0 : index
    %swap3A_817 = vector.load %swap3A_814[%swap3A_815, %swap3A_816] : memref<256x320xf32, #tpu.memory_space<vmem>>, vector<256x256xf32>
    tpu.vector_store %swap3A_814[%swap3A_815, %swap3A_816], %concatenate3A_811 {strides = array<i32>} : memref<256x320xf32, #tpu.memory_space<vmem>>, vector<256x256xf32>,
    %slice3A_818 = vector.extract_strided_slice %add3A_802 {offsets = [0, 0], sizes = [256, 64], strides = [1, 1]} : vector<256x128xf32> to vector<256x64xf32>
    %slice3A_819 = vector.extract_strided_slice %add3A_802 {offsets = [0, 64], sizes = [256, 64], strides = [1, 1]} : vector<256x128xf32> to vector<256x64xf32>
    %add3A_820 = arith.addf %slice3A_818, %slice3A_819 : vector<256x64xf32>
    %swap3A_821 = arith.constant 256 : i32
    %swap3A_822 = arith.constant 0 : i32
    %swap3A_823 = tpu.memref_slice %arg4[%swap3A_821, %swap3A_822] : memref<1024x320xf32, #tpu.memory_space<vmem>> -> memref<256x320xf32, #tpu.memory_space<vmem>>
    %swap3A_824 = arith.constant 0 : index
    %swap3A_825 = arith.constant 256 : index
    %swap3A_826 = vector.load %swap3A_823[%swap3A_824, %swap3A_825] : memref<256x320xf32, #tpu.memory_space<vmem>>, vector<256x64xf32>
    tpu.vector_store %swap3A_823[%swap3A_824, %swap3A_825], %add3A_820 {strides = array<i32>} : memref<256x320xf32, #tpu.memory_space<vmem>>, vector<256x64xf32>,
    %get3A_827 = arith.constant 512 : index
    %get3A_828 = arith.constant 0 : index
    %get3A_829 = vector.load %arg2[%get3A_827, %get3A_828] : memref<1024x256xf32, #tpu.memory_space<vmem>>, vector<256x256xf32>
    %get3A_830 = arith.constant 512 : index
    %get3A_831 = arith.constant 0 : index
    %get3A_832 = vector.load %arg3[%get3A_830, %get3A_831] : memref<1024x384xf32, #tpu.memory_space<vmem>>, vector<256x384xf32>
    %slice3A_833 = vector.extract_strided_slice %get3A_829 {offsets = [0, 0], sizes = [256, 128], strides = [1, 1]} : vector<256x256xf32> to vector<256x128xf32>
    %slice3A_834 = vector.extract_strided_slice %get3A_832 {offsets = [0, 0], sizes = [256, 128], strides = [1, 1]} : vector<256x384xf32> to vector<256x128xf32>
    %mul3A_835 = arith.mulf %slice3A_833, %slice3A_834 : vector<256x128xf32>
    %broadcast_in_dim3A_836 = vector.shape_cast %get3A_2 : vector<128xf32> to vector<1x128xf32>
    %mul3A_837 = vector.broadcast %broadcast_in_dim3A_836 : vector<1x128xf32> to vector<256x128xf32>
    %mul3A_838 = arith.mulf %mul3A_835, %mul3A_837 : vector<256x128xf32>
    %broadcast_in_dim3A_839 = vector.shape_cast %get3A_10 : vector<128xf32> to vector<1x128xf32>
    %mul3A_840 = vector.broadcast %broadcast_in_dim3A_839 : vector<1x128xf32> to vector<256x128xf32>
    %mul3A_841 = arith.mulf %mul3A_835, %mul3A_840 : vector<256x128xf32>
    %broadcast_in_dim3A_842 = vector.shape_cast %get3A_6 : vector<128xf32> to vector<1x128xf32>
    %mul3A_843 = vector.broadcast %broadcast_in_dim3A_842 : vector<1x128xf32> to vector<256x128xf32>
    %mul3A_844 = arith.mulf %mul3A_835, %mul3A_843 : vector<256x128xf32>
    %broadcast_in_dim3A_845 = vector.shape_cast %get3A_14 : vector<128xf32> to vector<1x128xf32>
    %mul3A_846 = vector.broadcast %broadcast_in_dim3A_845 : vector<1x128xf32> to vector<256x128xf32>
    %mul3A_847 = arith.mulf %mul3A_835, %mul3A_846 : vector<256x128xf32>
    %broadcast_in_dim3A_848 = vector.shape_cast %get3A_18 : vector<128xf32> to vector<1x128xf32>
    %mul3A_849 = vector.broadcast %broadcast_in_dim3A_848 : vector<1x128xf32> to vector<256x128xf32>
    %mul3A_850 = arith.mulf %mul3A_835, %mul3A_849 : vector<256x128xf32>
    %slice3A_851 = vector.extract_strided_slice %get3A_832 {offsets = [0, 128], sizes = [256, 128], strides = [1, 1]} : vector<256x384xf32> to vector<256x128xf32>
    %mul3A_852 = arith.mulf %slice3A_833, %slice3A_851 : vector<256x128xf32>
    %broadcast_in_dim3A_853 = vector.shape_cast %get3A_22 : vector<128xf32> to vector<1x128xf32>
    %mul3A_854 = vector.broadcast %broadcast_in_dim3A_853 : vector<1x128xf32> to vector<256x128xf32>
    %mul3A_855 = arith.mulf %mul3A_852, %mul3A_854 : vector<256x128xf32>
    %broadcast_in_dim3A_856 = vector.shape_cast %get3A_30 : vector<128xf32> to vector<1x128xf32>
    %mul3A_857 = vector.broadcast %broadcast_in_dim3A_856 : vector<1x128xf32> to vector<256x128xf32>
    %mul3A_858 = arith.mulf %mul3A_852, %mul3A_857 : vector<256x128xf32>
    %add3A_859 = arith.addf %mul3A_838, %mul3A_855 : vector<256x128xf32>
    %add3A_860 = arith.addf %mul3A_841, %mul3A_858 : vector<256x128xf32>
    %broadcast_in_dim3A_861 = vector.shape_cast %get3A_26 : vector<128xf32> to vector<1x128xf32>
    %mul3A_862 = vector.broadcast %broadcast_in_dim3A_861 : vector<1x128xf32> to vector<256x128xf32>
    %mul3A_863 = arith.mulf %mul3A_852, %mul3A_862 : vector<256x128xf32>
    %broadcast_in_dim3A_864 = vector.shape_cast %get3A_34 : vector<128xf32> to vector<1x128xf32>
    %mul3A_865 = vector.broadcast %broadcast_in_dim3A_864 : vector<1x128xf32> to vector<256x128xf32>
    %mul3A_866 = arith.mulf %mul3A_852, %mul3A_865 : vector<256x128xf32>
    %add3A_867 = arith.addf %mul3A_844, %mul3A_863 : vector<256x128xf32>
    %add3A_868 = arith.addf %mul3A_847, %mul3A_866 : vector<256x128xf32>
    %broadcast_in_dim3A_869 = vector.shape_cast %get3A_38 : vector<128xf32> to vector<1x128xf32>
    %mul3A_870 = vector.broadcast %broadcast_in_dim3A_869 : vector<1x128xf32> to vector<256x128xf32>
    %mul3A_871 = arith.mulf %mul3A_852, %mul3A_870 : vector<256x128xf32>
    %add3A_872 = arith.addf %mul3A_850, %mul3A_871 : vector<256x128xf32>
    %slice3A_873 = vector.extract_strided_slice %get3A_832 {offsets = [0, 256], sizes = [256, 128], strides = [1, 1]} : vector<256x384xf32> to vector<256x128xf32>
    %mul3A_874 = arith.mulf %slice3A_833, %slice3A_873 : vector<256x128xf32>
    %broadcast_in_dim3A_875 = vector.shape_cast %get3A_42 : vector<128xf32> to vector<1x128xf32>
    %mul3A_876 = vector.broadcast %broadcast_in_dim3A_875 : vector<1x128xf32> to vector<256x128xf32>
    %mul3A_877 = arith.mulf %mul3A_874, %mul3A_876 : vector<256x128xf32>
    %broadcast_in_dim3A_878 = vector.shape_cast %get3A_50 : vector<128xf32> to vector<1x128xf32>
    %mul3A_879 = vector.broadcast %broadcast_in_dim3A_878 : vector<1x128xf32> to vector<256x128xf32>
    %mul3A_880 = arith.mulf %mul3A_874, %mul3A_879 : vector<256x128xf32>
    %add3A_881 = arith.addf %add3A_859, %mul3A_877 : vector<256x128xf32>
    %add3A_882 = arith.addf %add3A_860, %mul3A_880 : vector<256x128xf32>
    %broadcast_in_dim3A_883 = vector.shape_cast %get3A_46 : vector<128xf32> to vector<1x128xf32>
    %mul3A_884 = vector.broadcast %broadcast_in_dim3A_883 : vector<1x128xf32> to vector<256x128xf32>
    %mul3A_885 = arith.mulf %mul3A_874, %mul3A_884 : vector<256x128xf32>
    %broadcast_in_dim3A_886 = vector.shape_cast %get3A_54 : vector<128xf32> to vector<1x128xf32>
    %mul3A_887 = vector.broadcast %broadcast_in_dim3A_886 : vector<1x128xf32> to vector<256x128xf32>
    %mul3A_888 = arith.mulf %mul3A_874, %mul3A_887 : vector<256x128xf32>
    %add3A_889 = arith.addf %add3A_867, %mul3A_885 : vector<256x128xf32>
    %add3A_890 = arith.addf %add3A_868, %mul3A_888 : vector<256x128xf32>
    %broadcast_in_dim3A_891 = vector.shape_cast %get3A_58 : vector<128xf32> to vector<1x128xf32>
    %mul3A_892 = vector.broadcast %broadcast_in_dim3A_891 : vector<1x128xf32> to vector<256x128xf32>
    %mul3A_893 = arith.mulf %mul3A_874, %mul3A_892 : vector<256x128xf32>
    %add3A_894 = arith.addf %add3A_872, %mul3A_893 : vector<256x128xf32>
    %slice3A_895 = vector.extract_strided_slice %slice3A_833 {offsets = [0, 64], sizes = [256, 64], strides = [1, 1]} : vector<256x128xf32> to vector<256x64xf32>
    %slice3A_896 = vector.extract_strided_slice %slice3A_833 {offsets = [0, 0], sizes = [256, 64], strides = [1, 1]} : vector<256x128xf32> to vector<256x64xf32>
    %concatenate3A_897 = tpu.concatenate %slice3A_895, %slice3A_896 in 1 : vector<256x64xf32>, vector<256x64xf32> -> vector<256x128xf32>
    %slice3A_898 = vector.extract_strided_slice %get3A_832 {offsets = [0, 0], sizes = [256, 128], strides = [1, 1]} : vector<256x384xf32> to vector<256x128xf32>
    %mul3A_899 = arith.mulf %concatenate3A_897, %slice3A_898 : vector<256x128xf32>
    %broadcast_in_dim3A_900 = vector.shape_cast %get3A_62 : vector<128xf32> to vector<1x128xf32>
    %mul3A_901 = vector.broadcast %broadcast_in_dim3A_900 : vector<1x128xf32> to vector<256x128xf32>
    %mul3A_902 = arith.mulf %mul3A_899, %mul3A_901 : vector<256x128xf32>
    %broadcast_in_dim3A_903 = vector.shape_cast %get3A_70 : vector<128xf32> to vector<1x128xf32>
    %mul3A_904 = vector.broadcast %broadcast_in_dim3A_903 : vector<1x128xf32> to vector<256x128xf32>
    %mul3A_905 = arith.mulf %mul3A_899, %mul3A_904 : vector<256x128xf32>
    %add3A_906 = arith.addf %add3A_881, %mul3A_902 : vector<256x128xf32>
    %add3A_907 = arith.addf %add3A_882, %mul3A_905 : vector<256x128xf32>
    %broadcast_in_dim3A_908 = vector.shape_cast %get3A_66 : vector<128xf32> to vector<1x128xf32>
    %mul3A_909 = vector.broadcast %broadcast_in_dim3A_908 : vector<1x128xf32> to vector<256x128xf32>
    %mul3A_910 = arith.mulf %mul3A_899, %mul3A_909 : vector<256x128xf32>
    %broadcast_in_dim3A_911 = vector.shape_cast %get3A_74 : vector<128xf32> to vector<1x128xf32>
    %mul3A_912 = vector.broadcast %broadcast_in_dim3A_911 : vector<1x128xf32> to vector<256x128xf32>
    %mul3A_913 = arith.mulf %mul3A_899, %mul3A_912 : vector<256x128xf32>
    %add3A_914 = arith.addf %add3A_889, %mul3A_910 : vector<256x128xf32>
    %add3A_915 = arith.addf %add3A_890, %mul3A_913 : vector<256x128xf32>
    %broadcast_in_dim3A_916 = vector.shape_cast %get3A_78 : vector<128xf32> to vector<1x128xf32>
    %mul3A_917 = vector.broadcast %broadcast_in_dim3A_916 : vector<1x128xf32> to vector<256x128xf32>
    %mul3A_918 = arith.mulf %mul3A_899, %mul3A_917 : vector<256x128xf32>
    %add3A_919 = arith.addf %add3A_894, %mul3A_918 : vector<256x128xf32>
    %slice3A_920 = vector.extract_strided_slice %get3A_832 {offsets = [0, 128], sizes = [256, 128], strides = [1, 1]} : vector<256x384xf32> to vector<256x128xf32>
    %mul3A_921 = arith.mulf %concatenate3A_897, %slice3A_920 : vector<256x128xf32>
    %broadcast_in_dim3A_922 = vector.shape_cast %get3A_82 : vector<128xf32> to vector<1x128xf32>
    %mul3A_923 = vector.broadcast %broadcast_in_dim3A_922 : vector<1x128xf32> to vector<256x128xf32>
    %mul3A_924 = arith.mulf %mul3A_921, %mul3A_923 : vector<256x128xf32>
    %broadcast_in_dim3A_925 = vector.shape_cast %get3A_90 : vector<128xf32> to vector<1x128xf32>
    %mul3A_926 = vector.broadcast %broadcast_in_dim3A_925 : vector<1x128xf32> to vector<256x128xf32>
    %mul3A_927 = arith.mulf %mul3A_921, %mul3A_926 : vector<256x128xf32>
    %add3A_928 = arith.addf %add3A_906, %mul3A_924 : vector<256x128xf32>
    %add3A_929 = arith.addf %add3A_907, %mul3A_927 : vector<256x128xf32>
    %broadcast_in_dim3A_930 = vector.shape_cast %get3A_86 : vector<128xf32> to vector<1x128xf32>
    %mul3A_931 = vector.broadcast %broadcast_in_dim3A_930 : vector<1x128xf32> to vector<256x128xf32>
    %mul3A_932 = arith.mulf %mul3A_921, %mul3A_931 : vector<256x128xf32>
    %broadcast_in_dim3A_933 = vector.shape_cast %get3A_94 : vector<128xf32> to vector<1x128xf32>
    %mul3A_934 = vector.broadcast %broadcast_in_dim3A_933 : vector<1x128xf32> to vector<256x128xf32>
    %mul3A_935 = arith.mulf %mul3A_921, %mul3A_934 : vector<256x128xf32>
    %add3A_936 = arith.addf %add3A_914, %mul3A_932 : vector<256x128xf32>
    %add3A_937 = arith.addf %add3A_915, %mul3A_935 : vector<256x128xf32>
    %broadcast_in_dim3A_938 = vector.shape_cast %get3A_98 : vector<128xf32> to vector<1x128xf32>
    %mul3A_939 = vector.broadcast %broadcast_in_dim3A_938 : vector<1x128xf32> to vector<256x128xf32>
    %mul3A_940 = arith.mulf %mul3A_921, %mul3A_939 : vector<256x128xf32>
    %add3A_941 = arith.addf %add3A_919, %mul3A_940 : vector<256x128xf32>
    %slice3A_942 = vector.extract_strided_slice %get3A_832 {offsets = [0, 256], sizes = [256, 128], strides = [1, 1]} : vector<256x384xf32> to vector<256x128xf32>
    %mul3A_943 = arith.mulf %concatenate3A_897, %slice3A_942 : vector<256x128xf32>
    %broadcast_in_dim3A_944 = vector.shape_cast %get3A_102 : vector<128xf32> to vector<1x128xf32>
    %mul3A_945 = vector.broadcast %broadcast_in_dim3A_944 : vector<1x128xf32> to vector<256x128xf32>
    %mul3A_946 = arith.mulf %mul3A_943, %mul3A_945 : vector<256x128xf32>
    %broadcast_in_dim3A_947 = vector.shape_cast %get3A_110 : vector<128xf32> to vector<1x128xf32>
    %mul3A_948 = vector.broadcast %broadcast_in_dim3A_947 : vector<1x128xf32> to vector<256x128xf32>
    %mul3A_949 = arith.mulf %mul3A_943, %mul3A_948 : vector<256x128xf32>
    %add3A_950 = arith.addf %add3A_928, %mul3A_946 : vector<256x128xf32>
    %add3A_951 = arith.addf %add3A_929, %mul3A_949 : vector<256x128xf32>
    %broadcast_in_dim3A_952 = vector.shape_cast %get3A_106 : vector<128xf32> to vector<1x128xf32>
    %mul3A_953 = vector.broadcast %broadcast_in_dim3A_952 : vector<1x128xf32> to vector<256x128xf32>
    %mul3A_954 = arith.mulf %mul3A_943, %mul3A_953 : vector<256x128xf32>
    %broadcast_in_dim3A_955 = vector.shape_cast %get3A_114 : vector<128xf32> to vector<1x128xf32>
    %mul3A_956 = vector.broadcast %broadcast_in_dim3A_955 : vector<1x128xf32> to vector<256x128xf32>
    %mul3A_957 = arith.mulf %mul3A_943, %mul3A_956 : vector<256x128xf32>
    %add3A_958 = arith.addf %add3A_936, %mul3A_954 : vector<256x128xf32>
    %add3A_959 = arith.addf %add3A_937, %mul3A_957 : vector<256x128xf32>
    %broadcast_in_dim3A_960 = vector.shape_cast %get3A_118 : vector<128xf32> to vector<1x128xf32>
    %mul3A_961 = vector.broadcast %broadcast_in_dim3A_960 : vector<1x128xf32> to vector<256x128xf32>
    %mul3A_962 = arith.mulf %mul3A_943, %mul3A_961 : vector<256x128xf32>
    %add3A_963 = arith.addf %add3A_941, %mul3A_962 : vector<256x128xf32>
    %slice3A_964 = vector.extract_strided_slice %get3A_829 {offsets = [0, 128], sizes = [256, 128], strides = [1, 1]} : vector<256x256xf32> to vector<256x128xf32>
    %slice3A_965 = vector.extract_strided_slice %get3A_832 {offsets = [0, 0], sizes = [256, 128], strides = [1, 1]} : vector<256x384xf32> to vector<256x128xf32>
    %mul3A_966 = arith.mulf %slice3A_964, %slice3A_965 : vector<256x128xf32>
    %broadcast_in_dim3A_967 = vector.shape_cast %get3A_122 : vector<128xf32> to vector<1x128xf32>
    %mul3A_968 = vector.broadcast %broadcast_in_dim3A_967 : vector<1x128xf32> to vector<256x128xf32>
    %mul3A_969 = arith.mulf %mul3A_966, %mul3A_968 : vector<256x128xf32>
    %broadcast_in_dim3A_970 = vector.shape_cast %get3A_130 : vector<128xf32> to vector<1x128xf32>
    %mul3A_971 = vector.broadcast %broadcast_in_dim3A_970 : vector<1x128xf32> to vector<256x128xf32>
    %mul3A_972 = arith.mulf %mul3A_966, %mul3A_971 : vector<256x128xf32>
    %add3A_973 = arith.addf %add3A_950, %mul3A_969 : vector<256x128xf32>
    %add3A_974 = arith.addf %add3A_951, %mul3A_972 : vector<256x128xf32>
    %broadcast_in_dim3A_975 = vector.shape_cast %get3A_126 : vector<128xf32> to vector<1x128xf32>
    %mul3A_976 = vector.broadcast %broadcast_in_dim3A_975 : vector<1x128xf32> to vector<256x128xf32>
    %mul3A_977 = arith.mulf %mul3A_966, %mul3A_976 : vector<256x128xf32>
    %broadcast_in_dim3A_978 = vector.shape_cast %get3A_134 : vector<128xf32> to vector<1x128xf32>
    %mul3A_979 = vector.broadcast %broadcast_in_dim3A_978 : vector<1x128xf32> to vector<256x128xf32>
    %mul3A_980 = arith.mulf %mul3A_966, %mul3A_979 : vector<256x128xf32>
    %add3A_981 = arith.addf %add3A_958, %mul3A_977 : vector<256x128xf32>
    %add3A_982 = arith.addf %add3A_959, %mul3A_980 : vector<256x128xf32>
    %broadcast_in_dim3A_983 = vector.shape_cast %get3A_138 : vector<128xf32> to vector<1x128xf32>
    %mul3A_984 = vector.broadcast %broadcast_in_dim3A_983 : vector<1x128xf32> to vector<256x128xf32>
    %mul3A_985 = arith.mulf %mul3A_966, %mul3A_984 : vector<256x128xf32>
    %add3A_986 = arith.addf %add3A_963, %mul3A_985 : vector<256x128xf32>
    %slice3A_987 = vector.extract_strided_slice %get3A_832 {offsets = [0, 128], sizes = [256, 128], strides = [1, 1]} : vector<256x384xf32> to vector<256x128xf32>
    %mul3A_988 = arith.mulf %slice3A_964, %slice3A_987 : vector<256x128xf32>
    %broadcast_in_dim3A_989 = vector.shape_cast %get3A_142 : vector<128xf32> to vector<1x128xf32>
    %mul3A_990 = vector.broadcast %broadcast_in_dim3A_989 : vector<1x128xf32> to vector<256x128xf32>
    %mul3A_991 = arith.mulf %mul3A_988, %mul3A_990 : vector<256x128xf32>
    %broadcast_in_dim3A_992 = vector.shape_cast %get3A_150 : vector<128xf32> to vector<1x128xf32>
    %mul3A_993 = vector.broadcast %broadcast_in_dim3A_992 : vector<1x128xf32> to vector<256x128xf32>
    %mul3A_994 = arith.mulf %mul3A_988, %mul3A_993 : vector<256x128xf32>
    %add3A_995 = arith.addf %add3A_973, %mul3A_991 : vector<256x128xf32>
    %add3A_996 = arith.addf %add3A_974, %mul3A_994 : vector<256x128xf32>
    %broadcast_in_dim3A_997 = vector.shape_cast %get3A_146 : vector<128xf32> to vector<1x128xf32>
    %mul3A_998 = vector.broadcast %broadcast_in_dim3A_997 : vector<1x128xf32> to vector<256x128xf32>
    %mul3A_999 = arith.mulf %mul3A_988, %mul3A_998 : vector<256x128xf32>
    %broadcast_in_dim3A_1000 = vector.shape_cast %get3A_154 : vector<128xf32> to vector<1x128xf32>
    %mul3A_1001 = vector.broadcast %broadcast_in_dim3A_1000 : vector<1x128xf32> to vector<256x128xf32>
    %mul3A_1002 = arith.mulf %mul3A_988, %mul3A_1001 : vector<256x128xf32>
    %add3A_1003 = arith.addf %add3A_981, %mul3A_999 : vector<256x128xf32>
    %add3A_1004 = arith.addf %add3A_982, %mul3A_1002 : vector<256x128xf32>
    %broadcast_in_dim3A_1005 = vector.shape_cast %get3A_158 : vector<128xf32> to vector<1x128xf32>
    %mul3A_1006 = vector.broadcast %broadcast_in_dim3A_1005 : vector<1x128xf32> to vector<256x128xf32>
    %mul3A_1007 = arith.mulf %mul3A_988, %mul3A_1006 : vector<256x128xf32>
    %add3A_1008 = arith.addf %add3A_986, %mul3A_1007 : vector<256x128xf32>
    %slice3A_1009 = vector.extract_strided_slice %get3A_832 {offsets = [0, 256], sizes = [256, 128], strides = [1, 1]} : vector<256x384xf32> to vector<256x128xf32>
    %mul3A_1010 = arith.mulf %slice3A_964, %slice3A_1009 : vector<256x128xf32>
    %broadcast_in_dim3A_1011 = vector.shape_cast %get3A_162 : vector<128xf32> to vector<1x128xf32>
    %mul3A_1012 = vector.broadcast %broadcast_in_dim3A_1011 : vector<1x128xf32> to vector<256x128xf32>
    %mul3A_1013 = arith.mulf %mul3A_1010, %mul3A_1012 : vector<256x128xf32>
    %broadcast_in_dim3A_1014 = vector.shape_cast %get3A_170 : vector<128xf32> to vector<1x128xf32>
    %mul3A_1015 = vector.broadcast %broadcast_in_dim3A_1014 : vector<1x128xf32> to vector<256x128xf32>
    %mul3A_1016 = arith.mulf %mul3A_1010, %mul3A_1015 : vector<256x128xf32>
    %add3A_1017 = arith.addf %add3A_995, %mul3A_1013 : vector<256x128xf32>
    %add3A_1018 = arith.addf %add3A_996, %mul3A_1016 : vector<256x128xf32>
    %broadcast_in_dim3A_1019 = vector.shape_cast %get3A_166 : vector<128xf32> to vector<1x128xf32>
    %mul3A_1020 = vector.broadcast %broadcast_in_dim3A_1019 : vector<1x128xf32> to vector<256x128xf32>
    %mul3A_1021 = arith.mulf %mul3A_1010, %mul3A_1020 : vector<256x128xf32>
    %broadcast_in_dim3A_1022 = vector.shape_cast %get3A_174 : vector<128xf32> to vector<1x128xf32>
    %mul3A_1023 = vector.broadcast %broadcast_in_dim3A_1022 : vector<1x128xf32> to vector<256x128xf32>
    %mul3A_1024 = arith.mulf %mul3A_1010, %mul3A_1023 : vector<256x128xf32>
    %add3A_1025 = arith.addf %add3A_1003, %mul3A_1021 : vector<256x128xf32>
    %add3A_1026 = arith.addf %add3A_1004, %mul3A_1024 : vector<256x128xf32>
    %broadcast_in_dim3A_1027 = vector.shape_cast %get3A_178 : vector<128xf32> to vector<1x128xf32>
    %mul3A_1028 = vector.broadcast %broadcast_in_dim3A_1027 : vector<1x128xf32> to vector<256x128xf32>
    %mul3A_1029 = arith.mulf %mul3A_1010, %mul3A_1028 : vector<256x128xf32>
    %add3A_1030 = arith.addf %add3A_1008, %mul3A_1029 : vector<256x128xf32>
    %slice3A_1031 = vector.extract_strided_slice %slice3A_964 {offsets = [0, 64], sizes = [256, 64], strides = [1, 1]} : vector<256x128xf32> to vector<256x64xf32>
    %slice3A_1032 = vector.extract_strided_slice %slice3A_964 {offsets = [0, 0], sizes = [256, 64], strides = [1, 1]} : vector<256x128xf32> to vector<256x64xf32>
    %concatenate3A_1033 = tpu.concatenate %slice3A_1031, %slice3A_1032 in 1 : vector<256x64xf32>, vector<256x64xf32> -> vector<256x128xf32>
    %slice3A_1034 = vector.extract_strided_slice %get3A_832 {offsets = [0, 0], sizes = [256, 128], strides = [1, 1]} : vector<256x384xf32> to vector<256x128xf32>
    %mul3A_1035 = arith.mulf %concatenate3A_1033, %slice3A_1034 : vector<256x128xf32>
    %broadcast_in_dim3A_1036 = vector.shape_cast %get3A_182 : vector<128xf32> to vector<1x128xf32>
    %mul3A_1037 = vector.broadcast %broadcast_in_dim3A_1036 : vector<1x128xf32> to vector<256x128xf32>
    %mul3A_1038 = arith.mulf %mul3A_1035, %mul3A_1037 : vector<256x128xf32>
    %broadcast_in_dim3A_1039 = vector.shape_cast %get3A_190 : vector<128xf32> to vector<1x128xf32>
    %mul3A_1040 = vector.broadcast %broadcast_in_dim3A_1039 : vector<1x128xf32> to vector<256x128xf32>
    %mul3A_1041 = arith.mulf %mul3A_1035, %mul3A_1040 : vector<256x128xf32>
    %add3A_1042 = arith.addf %add3A_1017, %mul3A_1038 : vector<256x128xf32>
    %add3A_1043 = arith.addf %add3A_1018, %mul3A_1041 : vector<256x128xf32>
    %broadcast_in_dim3A_1044 = vector.shape_cast %get3A_186 : vector<128xf32> to vector<1x128xf32>
    %mul3A_1045 = vector.broadcast %broadcast_in_dim3A_1044 : vector<1x128xf32> to vector<256x128xf32>
    %mul3A_1046 = arith.mulf %mul3A_1035, %mul3A_1045 : vector<256x128xf32>
    %broadcast_in_dim3A_1047 = vector.shape_cast %get3A_194 : vector<128xf32> to vector<1x128xf32>
    %mul3A_1048 = vector.broadcast %broadcast_in_dim3A_1047 : vector<1x128xf32> to vector<256x128xf32>
    %mul3A_1049 = arith.mulf %mul3A_1035, %mul3A_1048 : vector<256x128xf32>
    %add3A_1050 = arith.addf %add3A_1025, %mul3A_1046 : vector<256x128xf32>
    %add3A_1051 = arith.addf %add3A_1026, %mul3A_1049 : vector<256x128xf32>
    %broadcast_in_dim3A_1052 = vector.shape_cast %get3A_198 : vector<128xf32> to vector<1x128xf32>
    %mul3A_1053 = vector.broadcast %broadcast_in_dim3A_1052 : vector<1x128xf32> to vector<256x128xf32>
    %mul3A_1054 = arith.mulf %mul3A_1035, %mul3A_1053 : vector<256x128xf32>
    %add3A_1055 = arith.addf %add3A_1030, %mul3A_1054 : vector<256x128xf32>
    %slice3A_1056 = vector.extract_strided_slice %get3A_832 {offsets = [0, 128], sizes = [256, 128], strides = [1, 1]} : vector<256x384xf32> to vector<256x128xf32>
    %mul3A_1057 = arith.mulf %concatenate3A_1033, %slice3A_1056 : vector<256x128xf32>
    %broadcast_in_dim3A_1058 = vector.shape_cast %get3A_202 : vector<128xf32> to vector<1x128xf32>
    %mul3A_1059 = vector.broadcast %broadcast_in_dim3A_1058 : vector<1x128xf32> to vector<256x128xf32>
    %mul3A_1060 = arith.mulf %mul3A_1057, %mul3A_1059 : vector<256x128xf32>
    %broadcast_in_dim3A_1061 = vector.shape_cast %get3A_210 : vector<128xf32> to vector<1x128xf32>
    %mul3A_1062 = vector.broadcast %broadcast_in_dim3A_1061 : vector<1x128xf32> to vector<256x128xf32>
    %mul3A_1063 = arith.mulf %mul3A_1057, %mul3A_1062 : vector<256x128xf32>
    %add3A_1064 = arith.addf %add3A_1042, %mul3A_1060 : vector<256x128xf32>
    %add3A_1065 = arith.addf %add3A_1043, %mul3A_1063 : vector<256x128xf32>
    %broadcast_in_dim3A_1066 = vector.shape_cast %get3A_206 : vector<128xf32> to vector<1x128xf32>
    %mul3A_1067 = vector.broadcast %broadcast_in_dim3A_1066 : vector<1x128xf32> to vector<256x128xf32>
    %mul3A_1068 = arith.mulf %mul3A_1057, %mul3A_1067 : vector<256x128xf32>
    %broadcast_in_dim3A_1069 = vector.shape_cast %get3A_214 : vector<128xf32> to vector<1x128xf32>
    %mul3A_1070 = vector.broadcast %broadcast_in_dim3A_1069 : vector<1x128xf32> to vector<256x128xf32>
    %mul3A_1071 = arith.mulf %mul3A_1057, %mul3A_1070 : vector<256x128xf32>
    %add3A_1072 = arith.addf %add3A_1050, %mul3A_1068 : vector<256x128xf32>
    %add3A_1073 = arith.addf %add3A_1051, %mul3A_1071 : vector<256x128xf32>
    %broadcast_in_dim3A_1074 = vector.shape_cast %get3A_218 : vector<128xf32> to vector<1x128xf32>
    %mul3A_1075 = vector.broadcast %broadcast_in_dim3A_1074 : vector<1x128xf32> to vector<256x128xf32>
    %mul3A_1076 = arith.mulf %mul3A_1057, %mul3A_1075 : vector<256x128xf32>
    %add3A_1077 = arith.addf %add3A_1055, %mul3A_1076 : vector<256x128xf32>
    %slice3A_1078 = vector.extract_strided_slice %get3A_832 {offsets = [0, 256], sizes = [256, 128], strides = [1, 1]} : vector<256x384xf32> to vector<256x128xf32>
    %mul3A_1079 = arith.mulf %concatenate3A_1033, %slice3A_1078 : vector<256x128xf32>
    %broadcast_in_dim3A_1080 = vector.shape_cast %get3A_222 : vector<128xf32> to vector<1x128xf32>
    %mul3A_1081 = vector.broadcast %broadcast_in_dim3A_1080 : vector<1x128xf32> to vector<256x128xf32>
    %mul3A_1082 = arith.mulf %mul3A_1079, %mul3A_1081 : vector<256x128xf32>
    %broadcast_in_dim3A_1083 = vector.shape_cast %get3A_230 : vector<128xf32> to vector<1x128xf32>
    %mul3A_1084 = vector.broadcast %broadcast_in_dim3A_1083 : vector<1x128xf32> to vector<256x128xf32>
    %mul3A_1085 = arith.mulf %mul3A_1079, %mul3A_1084 : vector<256x128xf32>
    %add3A_1086 = arith.addf %add3A_1064, %mul3A_1082 : vector<256x128xf32>
    %add3A_1087 = arith.addf %add3A_1065, %mul3A_1085 : vector<256x128xf32>
    %broadcast_in_dim3A_1088 = vector.shape_cast %get3A_226 : vector<128xf32> to vector<1x128xf32>
    %mul3A_1089 = vector.broadcast %broadcast_in_dim3A_1088 : vector<1x128xf32> to vector<256x128xf32>
    %mul3A_1090 = arith.mulf %mul3A_1079, %mul3A_1089 : vector<256x128xf32>
    %broadcast_in_dim3A_1091 = vector.shape_cast %get3A_234 : vector<128xf32> to vector<1x128xf32>
    %mul3A_1092 = vector.broadcast %broadcast_in_dim3A_1091 : vector<1x128xf32> to vector<256x128xf32>
    %mul3A_1093 = arith.mulf %mul3A_1079, %mul3A_1092 : vector<256x128xf32>
    %add3A_1094 = arith.addf %add3A_1072, %mul3A_1090 : vector<256x128xf32>
    %add3A_1095 = arith.addf %add3A_1073, %mul3A_1093 : vector<256x128xf32>
    %broadcast_in_dim3A_1096 = vector.shape_cast %get3A_238 : vector<128xf32> to vector<1x128xf32>
    %mul3A_1097 = vector.broadcast %broadcast_in_dim3A_1096 : vector<1x128xf32> to vector<256x128xf32>
    %mul3A_1098 = arith.mulf %mul3A_1079, %mul3A_1097 : vector<256x128xf32>
    %add3A_1099 = arith.addf %add3A_1077, %mul3A_1098 : vector<256x128xf32>
    %slice3A_1100 = vector.extract_strided_slice %add3A_1087 {offsets = [0, 64], sizes = [256, 64], strides = [1, 1]} : vector<256x128xf32> to vector<256x64xf32>
    %slice3A_1101 = vector.extract_strided_slice %add3A_1087 {offsets = [0, 0], sizes = [256, 64], strides = [1, 1]} : vector<256x128xf32> to vector<256x64xf32>
    %concatenate3A_1102 = tpu.concatenate %slice3A_1100, %slice3A_1101 in 1 : vector<256x64xf32>, vector<256x64xf32> -> vector<256x128xf32>
    %add3A_1103 = arith.addf %add3A_1086, %concatenate3A_1102 : vector<256x128xf32>
    %slice3A_1104 = vector.extract_strided_slice %add3A_1095 {offsets = [0, 64], sizes = [256, 64], strides = [1, 1]} : vector<256x128xf32> to vector<256x64xf32>
    %slice3A_1105 = vector.extract_strided_slice %add3A_1095 {offsets = [0, 0], sizes = [256, 64], strides = [1, 1]} : vector<256x128xf32> to vector<256x64xf32>
    %concatenate3A_1106 = tpu.concatenate %slice3A_1104, %slice3A_1105 in 1 : vector<256x64xf32>, vector<256x64xf32> -> vector<256x128xf32>
    %add3A_1107 = arith.addf %add3A_1094, %concatenate3A_1106 : vector<256x128xf32>
    %concatenate3A_1108 = tpu.concatenate %add3A_1103, %add3A_1107 in 1 : vector<256x128xf32>, vector<256x128xf32> -> vector<256x256xf32>
    %swap3A_1109 = arith.constant 512 : i32
    %swap3A_1110 = arith.constant 0 : i32
    %swap3A_1111 = tpu.memref_slice %arg4[%swap3A_1109, %swap3A_1110] : memref<1024x320xf32, #tpu.memory_space<vmem>> -> memref<256x320xf32, #tpu.memory_space<vmem>>
    %swap3A_1112 = arith.constant 0 : index
    %swap3A_1113 = arith.constant 0 : index
    %swap3A_1114 = vector.load %swap3A_1111[%swap3A_1112, %swap3A_1113] : memref<256x320xf32, #tpu.memory_space<vmem>>, vector<256x256xf32>
    tpu.vector_store %swap3A_1111[%swap3A_1112, %swap3A_1113], %concatenate3A_1108 {strides = array<i32>} : memref<256x320xf32, #tpu.memory_space<vmem>>, vector<256x256xf32>,
    %slice3A_1115 = vector.extract_strided_slice %add3A_1099 {offsets = [0, 0], sizes = [256, 64], strides = [1, 1]} : vector<256x128xf32> to vector<256x64xf32>
    %slice3A_1116 = vector.extract_strided_slice %add3A_1099 {offsets = [0, 64], sizes = [256, 64], strides = [1, 1]} : vector<256x128xf32> to vector<256x64xf32>
    %add3A_1117 = arith.addf %slice3A_1115, %slice3A_1116 : vector<256x64xf32>
    %swap3A_1118 = arith.constant 512 : i32
    %swap3A_1119 = arith.constant 0 : i32
    %swap3A_1120 = tpu.memref_slice %arg4[%swap3A_1118, %swap3A_1119] : memref<1024x320xf32, #tpu.memory_space<vmem>> -> memref<256x320xf32, #tpu.memory_space<vmem>>
    %swap3A_1121 = arith.constant 0 : index
    %swap3A_1122 = arith.constant 256 : index
    %swap3A_1123 = vector.load %swap3A_1120[%swap3A_1121, %swap3A_1122] : memref<256x320xf32, #tpu.memory_space<vmem>>, vector<256x64xf32>
    tpu.vector_store %swap3A_1120[%swap3A_1121, %swap3A_1122], %add3A_1117 {strides = array<i32>} : memref<256x320xf32, #tpu.memory_space<vmem>>, vector<256x64xf32>,
    %get3A_1124 = arith.constant 768 : index
    %get3A_1125 = arith.constant 0 : index
    %get3A_1126 = vector.load %arg2[%get3A_1124, %get3A_1125] : memref<1024x256xf32, #tpu.memory_space<vmem>>, vector<256x256xf32>
    %get3A_1127 = arith.constant 768 : index
    %get3A_1128 = arith.constant 0 : index
    %get3A_1129 = vector.load %arg3[%get3A_1127, %get3A_1128] : memref<1024x384xf32, #tpu.memory_space<vmem>>, vector<256x384xf32>
    %slice3A_1130 = vector.extract_strided_slice %get3A_1126 {offsets = [0, 0], sizes = [256, 128], strides = [1, 1]} : vector<256x256xf32> to vector<256x128xf32>
    %slice3A_1131 = vector.extract_strided_slice %get3A_1129 {offsets = [0, 0], sizes = [256, 128], strides = [1, 1]} : vector<256x384xf32> to vector<256x128xf32>
    %mul3A_1132 = arith.mulf %slice3A_1130, %slice3A_1131 : vector<256x128xf32>
    %broadcast_in_dim3A_1133 = vector.shape_cast %get3A_2 : vector<128xf32> to vector<1x128xf32>
    %mul3A_1134 = vector.broadcast %broadcast_in_dim3A_1133 : vector<1x128xf32> to vector<256x128xf32>
    %mul3A_1135 = arith.mulf %mul3A_1132, %mul3A_1134 : vector<256x128xf32>
    %broadcast_in_dim3A_1136 = vector.shape_cast %get3A_10 : vector<128xf32> to vector<1x128xf32>
    %mul3A_1137 = vector.broadcast %broadcast_in_dim3A_1136 : vector<1x128xf32> to vector<256x128xf32>
    %mul3A_1138 = arith.mulf %mul3A_1132, %mul3A_1137 : vector<256x128xf32>
    %broadcast_in_dim3A_1139 = vector.shape_cast %get3A_6 : vector<128xf32> to vector<1x128xf32>
    %mul3A_1140 = vector.broadcast %broadcast_in_dim3A_1139 : vector<1x128xf32> to vector<256x128xf32>
    %mul3A_1141 = arith.mulf %mul3A_1132, %mul3A_1140 : vector<256x128xf32>
    %broadcast_in_dim3A_1142 = vector.shape_cast %get3A_14 : vector<128xf32> to vector<1x128xf32>
    %mul3A_1143 = vector.broadcast %broadcast_in_dim3A_1142 : vector<1x128xf32> to vector<256x128xf32>
    %mul3A_1144 = arith.mulf %mul3A_1132, %mul3A_1143 : vector<256x128xf32>
    %broadcast_in_dim3A_1145 = vector.shape_cast %get3A_18 : vector<128xf32> to vector<1x128xf32>
    %mul3A_1146 = vector.broadcast %broadcast_in_dim3A_1145 : vector<1x128xf32> to vector<256x128xf32>
    %mul3A_1147 = arith.mulf %mul3A_1132, %mul3A_1146 : vector<256x128xf32>
    %slice3A_1148 = vector.extract_strided_slice %get3A_1129 {offsets = [0, 128], sizes = [256, 128], strides = [1, 1]} : vector<256x384xf32> to vector<256x128xf32>
    %mul3A_1149 = arith.mulf %slice3A_1130, %slice3A_1148 : vector<256x128xf32>
    %broadcast_in_dim3A_1150 = vector.shape_cast %get3A_22 : vector<128xf32> to vector<1x128xf32>
    %mul3A_1151 = vector.broadcast %broadcast_in_dim3A_1150 : vector<1x128xf32> to vector<256x128xf32>
    %mul3A_1152 = arith.mulf %mul3A_1149, %mul3A_1151 : vector<256x128xf32>
    %broadcast_in_dim3A_1153 = vector.shape_cast %get3A_30 : vector<128xf32> to vector<1x128xf32>
    %mul3A_1154 = vector.broadcast %broadcast_in_dim3A_1153 : vector<1x128xf32> to vector<256x128xf32>
    %mul3A_1155 = arith.mulf %mul3A_1149, %mul3A_1154 : vector<256x128xf32>
    %add3A_1156 = arith.addf %mul3A_1135, %mul3A_1152 : vector<256x128xf32>
    %add3A_1157 = arith.addf %mul3A_1138, %mul3A_1155 : vector<256x128xf32>
    %broadcast_in_dim3A_1158 = vector.shape_cast %get3A_26 : vector<128xf32> to vector<1x128xf32>
    %mul3A_1159 = vector.broadcast %broadcast_in_dim3A_1158 : vector<1x128xf32> to vector<256x128xf32>
    %mul3A_1160 = arith.mulf %mul3A_1149, %mul3A_1159 : vector<256x128xf32>
    %broadcast_in_dim3A_1161 = vector.shape_cast %get3A_34 : vector<128xf32> to vector<1x128xf32>
    %mul3A_1162 = vector.broadcast %broadcast_in_dim3A_1161 : vector<1x128xf32> to vector<256x128xf32>
    %mul3A_1163 = arith.mulf %mul3A_1149, %mul3A_1162 : vector<256x128xf32>
    %add3A_1164 = arith.addf %mul3A_1141, %mul3A_1160 : vector<256x128xf32>
    %add3A_1165 = arith.addf %mul3A_1144, %mul3A_1163 : vector<256x128xf32>
    %broadcast_in_dim3A_1166 = vector.shape_cast %get3A_38 : vector<128xf32> to vector<1x128xf32>
    %mul3A_1167 = vector.broadcast %broadcast_in_dim3A_1166 : vector<1x128xf32> to vector<256x128xf32>
    %mul3A_1168 = arith.mulf %mul3A_1149, %mul3A_1167 : vector<256x128xf32>
    %add3A_1169 = arith.addf %mul3A_1147, %mul3A_1168 : vector<256x128xf32>
    %slice3A_1170 = vector.extract_strided_slice %get3A_1129 {offsets = [0, 256], sizes = [256, 128], strides = [1, 1]} : vector<256x384xf32> to vector<256x128xf32>
    %mul3A_1171 = arith.mulf %slice3A_1130, %slice3A_1170 : vector<256x128xf32>
    %broadcast_in_dim3A_1172 = vector.shape_cast %get3A_42 : vector<128xf32> to vector<1x128xf32>
    %mul3A_1173 = vector.broadcast %broadcast_in_dim3A_1172 : vector<1x128xf32> to vector<256x128xf32>
    %mul3A_1174 = arith.mulf %mul3A_1171, %mul3A_1173 : vector<256x128xf32>
    %broadcast_in_dim3A_1175 = vector.shape_cast %get3A_50 : vector<128xf32> to vector<1x128xf32>
    %mul3A_1176 = vector.broadcast %broadcast_in_dim3A_1175 : vector<1x128xf32> to vector<256x128xf32>
    %mul3A_1177 = arith.mulf %mul3A_1171, %mul3A_1176 : vector<256x128xf32>
    %add3A_1178 = arith.addf %add3A_1156, %mul3A_1174 : vector<256x128xf32>
    %add3A_1179 = arith.addf %add3A_1157, %mul3A_1177 : vector<256x128xf32>
    %broadcast_in_dim3A_1180 = vector.shape_cast %get3A_46 : vector<128xf32> to vector<1x128xf32>
    %mul3A_1181 = vector.broadcast %broadcast_in_dim3A_1180 : vector<1x128xf32> to vector<256x128xf32>
    %mul3A_1182 = arith.mulf %mul3A_1171, %mul3A_1181 : vector<256x128xf32>
    %broadcast_in_dim3A_1183 = vector.shape_cast %get3A_54 : vector<128xf32> to vector<1x128xf32>
    %mul3A_1184 = vector.broadcast %broadcast_in_dim3A_1183 : vector<1x128xf32> to vector<256x128xf32>
    %mul3A_1185 = arith.mulf %mul3A_1171, %mul3A_1184 : vector<256x128xf32>
    %add3A_1186 = arith.addf %add3A_1164, %mul3A_1182 : vector<256x128xf32>
    %add3A_1187 = arith.addf %add3A_1165, %mul3A_1185 : vector<256x128xf32>
    %broadcast_in_dim3A_1188 = vector.shape_cast %get3A_58 : vector<128xf32> to vector<1x128xf32>
    %mul3A_1189 = vector.broadcast %broadcast_in_dim3A_1188 : vector<1x128xf32> to vector<256x128xf32>
    %mul3A_1190 = arith.mulf %mul3A_1171, %mul3A_1189 : vector<256x128xf32>
    %add3A_1191 = arith.addf %add3A_1169, %mul3A_1190 : vector<256x128xf32>
    %slice3A_1192 = vector.extract_strided_slice %slice3A_1130 {offsets = [0, 64], sizes = [256, 64], strides = [1, 1]} : vector<256x128xf32> to vector<256x64xf32>
    %slice3A_1193 = vector.extract_strided_slice %slice3A_1130 {offsets = [0, 0], sizes = [256, 64], strides = [1, 1]} : vector<256x128xf32> to vector<256x64xf32>
    %concatenate3A_1194 = tpu.concatenate %slice3A_1192, %slice3A_1193 in 1 : vector<256x64xf32>, vector<256x64xf32> -> vector<256x128xf32>
    %slice3A_1195 = vector.extract_strided_slice %get3A_1129 {offsets = [0, 0], sizes = [256, 128], strides = [1, 1]} : vector<256x384xf32> to vector<256x128xf32>
    %mul3A_1196 = arith.mulf %concatenate3A_1194, %slice3A_1195 : vector<256x128xf32>
    %broadcast_in_dim3A_1197 = vector.shape_cast %get3A_62 : vector<128xf32> to vector<1x128xf32>
    %mul3A_1198 = vector.broadcast %broadcast_in_dim3A_1197 : vector<1x128xf32> to vector<256x128xf32>
    %mul3A_1199 = arith.mulf %mul3A_1196, %mul3A_1198 : vector<256x128xf32>
    %broadcast_in_dim3A_1200 = vector.shape_cast %get3A_70 : vector<128xf32> to vector<1x128xf32>
    %mul3A_1201 = vector.broadcast %broadcast_in_dim3A_1200 : vector<1x128xf32> to vector<256x128xf32>
    %mul3A_1202 = arith.mulf %mul3A_1196, %mul3A_1201 : vector<256x128xf32>
    %add3A_1203 = arith.addf %add3A_1178, %mul3A_1199 : vector<256x128xf32>
    %add3A_1204 = arith.addf %add3A_1179, %mul3A_1202 : vector<256x128xf32>
    %broadcast_in_dim3A_1205 = vector.shape_cast %get3A_66 : vector<128xf32> to vector<1x128xf32>
    %mul3A_1206 = vector.broadcast %broadcast_in_dim3A_1205 : vector<1x128xf32> to vector<256x128xf32>
    %mul3A_1207 = arith.mulf %mul3A_1196, %mul3A_1206 : vector<256x128xf32>
    %broadcast_in_dim3A_1208 = vector.shape_cast %get3A_74 : vector<128xf32> to vector<1x128xf32>
    %mul3A_1209 = vector.broadcast %broadcast_in_dim3A_1208 : vector<1x128xf32> to vector<256x128xf32>
    %mul3A_1210 = arith.mulf %mul3A_1196, %mul3A_1209 : vector<256x128xf32>
    %add3A_1211 = arith.addf %add3A_1186, %mul3A_1207 : vector<256x128xf32>
    %add3A_1212 = arith.addf %add3A_1187, %mul3A_1210 : vector<256x128xf32>
    %broadcast_in_dim3A_1213 = vector.shape_cast %get3A_78 : vector<128xf32> to vector<1x128xf32>
    %mul3A_1214 = vector.broadcast %broadcast_in_dim3A_1213 : vector<1x128xf32> to vector<256x128xf32>
    %mul3A_1215 = arith.mulf %mul3A_1196, %mul3A_1214 : vector<256x128xf32>
    %add3A_1216 = arith.addf %add3A_1191, %mul3A_1215 : vector<256x128xf32>
    %slice3A_1217 = vector.extract_strided_slice %get3A_1129 {offsets = [0, 128], sizes = [256, 128], strides = [1, 1]} : vector<256x384xf32> to vector<256x128xf32>
    %mul3A_1218 = arith.mulf %concatenate3A_1194, %slice3A_1217 : vector<256x128xf32>
    %broadcast_in_dim3A_1219 = vector.shape_cast %get3A_82 : vector<128xf32> to vector<1x128xf32>
    %mul3A_1220 = vector.broadcast %broadcast_in_dim3A_1219 : vector<1x128xf32> to vector<256x128xf32>
    %mul3A_1221 = arith.mulf %mul3A_1218, %mul3A_1220 : vector<256x128xf32>
    %broadcast_in_dim3A_1222 = vector.shape_cast %get3A_90 : vector<128xf32> to vector<1x128xf32>
    %mul3A_1223 = vector.broadcast %broadcast_in_dim3A_1222 : vector<1x128xf32> to vector<256x128xf32>
    %mul3A_1224 = arith.mulf %mul3A_1218, %mul3A_1223 : vector<256x128xf32>
    %add3A_1225 = arith.addf %add3A_1203, %mul3A_1221 : vector<256x128xf32>
    %add3A_1226 = arith.addf %add3A_1204, %mul3A_1224 : vector<256x128xf32>
    %broadcast_in_dim3A_1227 = vector.shape_cast %get3A_86 : vector<128xf32> to vector<1x128xf32>
    %mul3A_1228 = vector.broadcast %broadcast_in_dim3A_1227 : vector<1x128xf32> to vector<256x128xf32>
    %mul3A_1229 = arith.mulf %mul3A_1218, %mul3A_1228 : vector<256x128xf32>
    %broadcast_in_dim3A_1230 = vector.shape_cast %get3A_94 : vector<128xf32> to vector<1x128xf32>
    %mul3A_1231 = vector.broadcast %broadcast_in_dim3A_1230 : vector<1x128xf32> to vector<256x128xf32>
    %mul3A_1232 = arith.mulf %mul3A_1218, %mul3A_1231 : vector<256x128xf32>
    %add3A_1233 = arith.addf %add3A_1211, %mul3A_1229 : vector<256x128xf32>
    %add3A_1234 = arith.addf %add3A_1212, %mul3A_1232 : vector<256x128xf32>
    %broadcast_in_dim3A_1235 = vector.shape_cast %get3A_98 : vector<128xf32> to vector<1x128xf32>
    %mul3A_1236 = vector.broadcast %broadcast_in_dim3A_1235 : vector<1x128xf32> to vector<256x128xf32>
    %mul3A_1237 = arith.mulf %mul3A_1218, %mul3A_1236 : vector<256x128xf32>
    %add3A_1238 = arith.addf %add3A_1216, %mul3A_1237 : vector<256x128xf32>
    %slice3A_1239 = vector.extract_strided_slice %get3A_1129 {offsets = [0, 256], sizes = [256, 128], strides = [1, 1]} : vector<256x384xf32> to vector<256x128xf32>
    %mul3A_1240 = arith.mulf %concatenate3A_1194, %slice3A_1239 : vector<256x128xf32>
    %broadcast_in_dim3A_1241 = vector.shape_cast %get3A_102 : vector<128xf32> to vector<1x128xf32>
    %mul3A_1242 = vector.broadcast %broadcast_in_dim3A_1241 : vector<1x128xf32> to vector<256x128xf32>
    %mul3A_1243 = arith.mulf %mul3A_1240, %mul3A_1242 : vector<256x128xf32>
    %broadcast_in_dim3A_1244 = vector.shape_cast %get3A_110 : vector<128xf32> to vector<1x128xf32>
    %mul3A_1245 = vector.broadcast %broadcast_in_dim3A_1244 : vector<1x128xf32> to vector<256x128xf32>
    %mul3A_1246 = arith.mulf %mul3A_1240, %mul3A_1245 : vector<256x128xf32>
    %add3A_1247 = arith.addf %add3A_1225, %mul3A_1243 : vector<256x128xf32>
    %add3A_1248 = arith.addf %add3A_1226, %mul3A_1246 : vector<256x128xf32>
    %broadcast_in_dim3A_1249 = vector.shape_cast %get3A_106 : vector<128xf32> to vector<1x128xf32>
    %mul3A_1250 = vector.broadcast %broadcast_in_dim3A_1249 : vector<1x128xf32> to vector<256x128xf32>
    %mul3A_1251 = arith.mulf %mul3A_1240, %mul3A_1250 : vector<256x128xf32>
    %broadcast_in_dim3A_1252 = vector.shape_cast %get3A_114 : vector<128xf32> to vector<1x128xf32>
    %mul3A_1253 = vector.broadcast %broadcast_in_dim3A_1252 : vector<1x128xf32> to vector<256x128xf32>
    %mul3A_1254 = arith.mulf %mul3A_1240, %mul3A_1253 : vector<256x128xf32>
    %add3A_1255 = arith.addf %add3A_1233, %mul3A_1251 : vector<256x128xf32>
    %add3A_1256 = arith.addf %add3A_1234, %mul3A_1254 : vector<256x128xf32>
    %broadcast_in_dim3A_1257 = vector.shape_cast %get3A_118 : vector<128xf32> to vector<1x128xf32>
    %mul3A_1258 = vector.broadcast %broadcast_in_dim3A_1257 : vector<1x128xf32> to vector<256x128xf32>
    %mul3A_1259 = arith.mulf %mul3A_1240, %mul3A_1258 : vector<256x128xf32>
    %add3A_1260 = arith.addf %add3A_1238, %mul3A_1259 : vector<256x128xf32>
    %slice3A_1261 = vector.extract_strided_slice %get3A_1126 {offsets = [0, 128], sizes = [256, 128], strides = [1, 1]} : vector<256x256xf32> to vector<256x128xf32>
    %slice3A_1262 = vector.extract_strided_slice %get3A_1129 {offsets = [0, 0], sizes = [256, 128], strides = [1, 1]} : vector<256x384xf32> to vector<256x128xf32>
    %mul3A_1263 = arith.mulf %slice3A_1261, %slice3A_1262 : vector<256x128xf32>
    %broadcast_in_dim3A_1264 = vector.shape_cast %get3A_122 : vector<128xf32> to vector<1x128xf32>
    %mul3A_1265 = vector.broadcast %broadcast_in_dim3A_1264 : vector<1x128xf32> to vector<256x128xf32>
    %mul3A_1266 = arith.mulf %mul3A_1263, %mul3A_1265 : vector<256x128xf32>
    %broadcast_in_dim3A_1267 = vector.shape_cast %get3A_130 : vector<128xf32> to vector<1x128xf32>
    %mul3A_1268 = vector.broadcast %broadcast_in_dim3A_1267 : vector<1x128xf32> to vector<256x128xf32>
    %mul3A_1269 = arith.mulf %mul3A_1263, %mul3A_1268 : vector<256x128xf32>
    %add3A_1270 = arith.addf %add3A_1247, %mul3A_1266 : vector<256x128xf32>
    %add3A_1271 = arith.addf %add3A_1248, %mul3A_1269 : vector<256x128xf32>
    %broadcast_in_dim3A_1272 = vector.shape_cast %get3A_126 : vector<128xf32> to vector<1x128xf32>
    %mul3A_1273 = vector.broadcast %broadcast_in_dim3A_1272 : vector<1x128xf32> to vector<256x128xf32>
    %mul3A_1274 = arith.mulf %mul3A_1263, %mul3A_1273 : vector<256x128xf32>
    %broadcast_in_dim3A_1275 = vector.shape_cast %get3A_134 : vector<128xf32> to vector<1x128xf32>
    %mul3A_1276 = vector.broadcast %broadcast_in_dim3A_1275 : vector<1x128xf32> to vector<256x128xf32>
    %mul3A_1277 = arith.mulf %mul3A_1263, %mul3A_1276 : vector<256x128xf32>
    %add3A_1278 = arith.addf %add3A_1255, %mul3A_1274 : vector<256x128xf32>
    %add3A_1279 = arith.addf %add3A_1256, %mul3A_1277 : vector<256x128xf32>
    %broadcast_in_dim3A_1280 = vector.shape_cast %get3A_138 : vector<128xf32> to vector<1x128xf32>
    %mul3A_1281 = vector.broadcast %broadcast_in_dim3A_1280 : vector<1x128xf32> to vector<256x128xf32>
    %mul3A_1282 = arith.mulf %mul3A_1263, %mul3A_1281 : vector<256x128xf32>
    %add3A_1283 = arith.addf %add3A_1260, %mul3A_1282 : vector<256x128xf32>
    %slice3A_1284 = vector.extract_strided_slice %get3A_1129 {offsets = [0, 128], sizes = [256, 128], strides = [1, 1]} : vector<256x384xf32> to vector<256x128xf32>
    %mul3A_1285 = arith.mulf %slice3A_1261, %slice3A_1284 : vector<256x128xf32>
    %broadcast_in_dim3A_1286 = vector.shape_cast %get3A_142 : vector<128xf32> to vector<1x128xf32>
    %mul3A_1287 = vector.broadcast %broadcast_in_dim3A_1286 : vector<1x128xf32> to vector<256x128xf32>
    %mul3A_1288 = arith.mulf %mul3A_1285, %mul3A_1287 : vector<256x128xf32>
    %broadcast_in_dim3A_1289 = vector.shape_cast %get3A_150 : vector<128xf32> to vector<1x128xf32>
    %mul3A_1290 = vector.broadcast %broadcast_in_dim3A_1289 : vector<1x128xf32> to vector<256x128xf32>
    %mul3A_1291 = arith.mulf %mul3A_1285, %mul3A_1290 : vector<256x128xf32>
    %add3A_1292 = arith.addf %add3A_1270, %mul3A_1288 : vector<256x128xf32>
    %add3A_1293 = arith.addf %add3A_1271, %mul3A_1291 : vector<256x128xf32>
    %broadcast_in_dim3A_1294 = vector.shape_cast %get3A_146 : vector<128xf32> to vector<1x128xf32>
    %mul3A_1295 = vector.broadcast %broadcast_in_dim3A_1294 : vector<1x128xf32> to vector<256x128xf32>
    %mul3A_1296 = arith.mulf %mul3A_1285, %mul3A_1295 : vector<256x128xf32>
    %broadcast_in_dim3A_1297 = vector.shape_cast %get3A_154 : vector<128xf32> to vector<1x128xf32>
    %mul3A_1298 = vector.broadcast %broadcast_in_dim3A_1297 : vector<1x128xf32> to vector<256x128xf32>
    %mul3A_1299 = arith.mulf %mul3A_1285, %mul3A_1298 : vector<256x128xf32>
    %add3A_1300 = arith.addf %add3A_1278, %mul3A_1296 : vector<256x128xf32>
    %add3A_1301 = arith.addf %add3A_1279, %mul3A_1299 : vector<256x128xf32>
    %broadcast_in_dim3A_1302 = vector.shape_cast %get3A_158 : vector<128xf32> to vector<1x128xf32>
    %mul3A_1303 = vector.broadcast %broadcast_in_dim3A_1302 : vector<1x128xf32> to vector<256x128xf32>
    %mul3A_1304 = arith.mulf %mul3A_1285, %mul3A_1303 : vector<256x128xf32>
    %add3A_1305 = arith.addf %add3A_1283, %mul3A_1304 : vector<256x128xf32>
    %slice3A_1306 = vector.extract_strided_slice %get3A_1129 {offsets = [0, 256], sizes = [256, 128], strides = [1, 1]} : vector<256x384xf32> to vector<256x128xf32>
    %mul3A_1307 = arith.mulf %slice3A_1261, %slice3A_1306 : vector<256x128xf32>
    %broadcast_in_dim3A_1308 = vector.shape_cast %get3A_162 : vector<128xf32> to vector<1x128xf32>
    %mul3A_1309 = vector.broadcast %broadcast_in_dim3A_1308 : vector<1x128xf32> to vector<256x128xf32>
    %mul3A_1310 = arith.mulf %mul3A_1307, %mul3A_1309 : vector<256x128xf32>
    %broadcast_in_dim3A_1311 = vector.shape_cast %get3A_170 : vector<128xf32> to vector<1x128xf32>
    %mul3A_1312 = vector.broadcast %broadcast_in_dim3A_1311 : vector<1x128xf32> to vector<256x128xf32>
    %mul3A_1313 = arith.mulf %mul3A_1307, %mul3A_1312 : vector<256x128xf32>
    %add3A_1314 = arith.addf %add3A_1292, %mul3A_1310 : vector<256x128xf32>
    %add3A_1315 = arith.addf %add3A_1293, %mul3A_1313 : vector<256x128xf32>
    %broadcast_in_dim3A_1316 = vector.shape_cast %get3A_166 : vector<128xf32> to vector<1x128xf32>
    %mul3A_1317 = vector.broadcast %broadcast_in_dim3A_1316 : vector<1x128xf32> to vector<256x128xf32>
    %mul3A_1318 = arith.mulf %mul3A_1307, %mul3A_1317 : vector<256x128xf32>
    %broadcast_in_dim3A_1319 = vector.shape_cast %get3A_174 : vector<128xf32> to vector<1x128xf32>
    %mul3A_1320 = vector.broadcast %broadcast_in_dim3A_1319 : vector<1x128xf32> to vector<256x128xf32>
    %mul3A_1321 = arith.mulf %mul3A_1307, %mul3A_1320 : vector<256x128xf32>
    %add3A_1322 = arith.addf %add3A_1300, %mul3A_1318 : vector<256x128xf32>
    %add3A_1323 = arith.addf %add3A_1301, %mul3A_1321 : vector<256x128xf32>
    %broadcast_in_dim3A_1324 = vector.shape_cast %get3A_178 : vector<128xf32> to vector<1x128xf32>
    %mul3A_1325 = vector.broadcast %broadcast_in_dim3A_1324 : vector<1x128xf32> to vector<256x128xf32>
    %mul3A_1326 = arith.mulf %mul3A_1307, %mul3A_1325 : vector<256x128xf32>
    %add3A_1327 = arith.addf %add3A_1305, %mul3A_1326 : vector<256x128xf32>
    %slice3A_1328 = vector.extract_strided_slice %slice3A_1261 {offsets = [0, 64], sizes = [256, 64], strides = [1, 1]} : vector<256x128xf32> to vector<256x64xf32>
    %slice3A_1329 = vector.extract_strided_slice %slice3A_1261 {offsets = [0, 0], sizes = [256, 64], strides = [1, 1]} : vector<256x128xf32> to vector<256x64xf32>
    %concatenate3A_1330 = tpu.concatenate %slice3A_1328, %slice3A_1329 in 1 : vector<256x64xf32>, vector<256x64xf32> -> vector<256x128xf32>
    %slice3A_1331 = vector.extract_strided_slice %get3A_1129 {offsets = [0, 0], sizes = [256, 128], strides = [1, 1]} : vector<256x384xf32> to vector<256x128xf32>
    %mul3A_1332 = arith.mulf %concatenate3A_1330, %slice3A_1331 : vector<256x128xf32>
    %broadcast_in_dim3A_1333 = vector.shape_cast %get3A_182 : vector<128xf32> to vector<1x128xf32>
    %mul3A_1334 = vector.broadcast %broadcast_in_dim3A_1333 : vector<1x128xf32> to vector<256x128xf32>
    %mul3A_1335 = arith.mulf %mul3A_1332, %mul3A_1334 : vector<256x128xf32>
    %broadcast_in_dim3A_1336 = vector.shape_cast %get3A_190 : vector<128xf32> to vector<1x128xf32>
    %mul3A_1337 = vector.broadcast %broadcast_in_dim3A_1336 : vector<1x128xf32> to vector<256x128xf32>
    %mul3A_1338 = arith.mulf %mul3A_1332, %mul3A_1337 : vector<256x128xf32>
    %add3A_1339 = arith.addf %add3A_1314, %mul3A_1335 : vector<256x128xf32>
    %add3A_1340 = arith.addf %add3A_1315, %mul3A_1338 : vector<256x128xf32>
    %broadcast_in_dim3A_1341 = vector.shape_cast %get3A_186 : vector<128xf32> to vector<1x128xf32>
    %mul3A_1342 = vector.broadcast %broadcast_in_dim3A_1341 : vector<1x128xf32> to vector<256x128xf32>
    %mul3A_1343 = arith.mulf %mul3A_1332, %mul3A_1342 : vector<256x128xf32>
    %broadcast_in_dim3A_1344 = vector.shape_cast %get3A_194 : vector<128xf32> to vector<1x128xf32>
    %mul3A_1345 = vector.broadcast %broadcast_in_dim3A_1344 : vector<1x128xf32> to vector<256x128xf32>
    %mul3A_1346 = arith.mulf %mul3A_1332, %mul3A_1345 : vector<256x128xf32>
    %add3A_1347 = arith.addf %add3A_1322, %mul3A_1343 : vector<256x128xf32>
    %add3A_1348 = arith.addf %add3A_1323, %mul3A_1346 : vector<256x128xf32>
    %broadcast_in_dim3A_1349 = vector.shape_cast %get3A_198 : vector<128xf32> to vector<1x128xf32>
    %mul3A_1350 = vector.broadcast %broadcast_in_dim3A_1349 : vector<1x128xf32> to vector<256x128xf32>
    %mul3A_1351 = arith.mulf %mul3A_1332, %mul3A_1350 : vector<256x128xf32>
    %add3A_1352 = arith.addf %add3A_1327, %mul3A_1351 : vector<256x128xf32>
    %slice3A_1353 = vector.extract_strided_slice %get3A_1129 {offsets = [0, 128], sizes = [256, 128], strides = [1, 1]} : vector<256x384xf32> to vector<256x128xf32>
    %mul3A_1354 = arith.mulf %concatenate3A_1330, %slice3A_1353 : vector<256x128xf32>
    %broadcast_in_dim3A_1355 = vector.shape_cast %get3A_202 : vector<128xf32> to vector<1x128xf32>
    %mul3A_1356 = vector.broadcast %broadcast_in_dim3A_1355 : vector<1x128xf32> to vector<256x128xf32>
    %mul3A_1357 = arith.mulf %mul3A_1354, %mul3A_1356 : vector<256x128xf32>
    %broadcast_in_dim3A_1358 = vector.shape_cast %get3A_210 : vector<128xf32> to vector<1x128xf32>
    %mul3A_1359 = vector.broadcast %broadcast_in_dim3A_1358 : vector<1x128xf32> to vector<256x128xf32>
    %mul3A_1360 = arith.mulf %mul3A_1354, %mul3A_1359 : vector<256x128xf32>
    %add3A_1361 = arith.addf %add3A_1339, %mul3A_1357 : vector<256x128xf32>
    %add3A_1362 = arith.addf %add3A_1340, %mul3A_1360 : vector<256x128xf32>
    %broadcast_in_dim3A_1363 = vector.shape_cast %get3A_206 : vector<128xf32> to vector<1x128xf32>
    %mul3A_1364 = vector.broadcast %broadcast_in_dim3A_1363 : vector<1x128xf32> to vector<256x128xf32>
    %mul3A_1365 = arith.mulf %mul3A_1354, %mul3A_1364 : vector<256x128xf32>
    %broadcast_in_dim3A_1366 = vector.shape_cast %get3A_214 : vector<128xf32> to vector<1x128xf32>
    %mul3A_1367 = vector.broadcast %broadcast_in_dim3A_1366 : vector<1x128xf32> to vector<256x128xf32>
    %mul3A_1368 = arith.mulf %mul3A_1354, %mul3A_1367 : vector<256x128xf32>
    %add3A_1369 = arith.addf %add3A_1347, %mul3A_1365 : vector<256x128xf32>
    %add3A_1370 = arith.addf %add3A_1348, %mul3A_1368 : vector<256x128xf32>
    %broadcast_in_dim3A_1371 = vector.shape_cast %get3A_218 : vector<128xf32> to vector<1x128xf32>
    %mul3A_1372 = vector.broadcast %broadcast_in_dim3A_1371 : vector<1x128xf32> to vector<256x128xf32>
    %mul3A_1373 = arith.mulf %mul3A_1354, %mul3A_1372 : vector<256x128xf32>
    %add3A_1374 = arith.addf %add3A_1352, %mul3A_1373 : vector<256x128xf32>
    %slice3A_1375 = vector.extract_strided_slice %get3A_1129 {offsets = [0, 256], sizes = [256, 128], strides = [1, 1]} : vector<256x384xf32> to vector<256x128xf32>
    %mul3A_1376 = arith.mulf %concatenate3A_1330, %slice3A_1375 : vector<256x128xf32>
    %broadcast_in_dim3A_1377 = vector.shape_cast %get3A_222 : vector<128xf32> to vector<1x128xf32>
    %mul3A_1378 = vector.broadcast %broadcast_in_dim3A_1377 : vector<1x128xf32> to vector<256x128xf32>
    %mul3A_1379 = arith.mulf %mul3A_1376, %mul3A_1378 : vector<256x128xf32>
    %broadcast_in_dim3A_1380 = vector.shape_cast %get3A_230 : vector<128xf32> to vector<1x128xf32>
    %mul3A_1381 = vector.broadcast %broadcast_in_dim3A_1380 : vector<1x128xf32> to vector<256x128xf32>
    %mul3A_1382 = arith.mulf %mul3A_1376, %mul3A_1381 : vector<256x128xf32>
    %add3A_1383 = arith.addf %add3A_1361, %mul3A_1379 : vector<256x128xf32>
    %add3A_1384 = arith.addf %add3A_1362, %mul3A_1382 : vector<256x128xf32>
    %broadcast_in_dim3A_1385 = vector.shape_cast %get3A_226 : vector<128xf32> to vector<1x128xf32>
    %mul3A_1386 = vector.broadcast %broadcast_in_dim3A_1385 : vector<1x128xf32> to vector<256x128xf32>
    %mul3A_1387 = arith.mulf %mul3A_1376, %mul3A_1386 : vector<256x128xf32>
    %broadcast_in_dim3A_1388 = vector.shape_cast %get3A_234 : vector<128xf32> to vector<1x128xf32>
    %mul3A_1389 = vector.broadcast %broadcast_in_dim3A_1388 : vector<1x128xf32> to vector<256x128xf32>
    %mul3A_1390 = arith.mulf %mul3A_1376, %mul3A_1389 : vector<256x128xf32>
    %add3A_1391 = arith.addf %add3A_1369, %mul3A_1387 : vector<256x128xf32>
    %add3A_1392 = arith.addf %add3A_1370, %mul3A_1390 : vector<256x128xf32>
    %broadcast_in_dim3A_1393 = vector.shape_cast %get3A_238 : vector<128xf32> to vector<1x128xf32>
    %mul3A_1394 = vector.broadcast %broadcast_in_dim3A_1393 : vector<1x128xf32> to vector<256x128xf32>
    %mul3A_1395 = arith.mulf %mul3A_1376, %mul3A_1394 : vector<256x128xf32>
    %add3A_1396 = arith.addf %add3A_1374, %mul3A_1395 : vector<256x128xf32>
    %slice3A_1397 = vector.extract_strided_slice %add3A_1384 {offsets = [0, 64], sizes = [256, 64], strides = [1, 1]} : vector<256x128xf32> to vector<256x64xf32>
    %slice3A_1398 = vector.extract_strided_slice %add3A_1384 {offsets = [0, 0], sizes = [256, 64], strides = [1, 1]} : vector<256x128xf32> to vector<256x64xf32>
    %concatenate3A_1399 = tpu.concatenate %slice3A_1397, %slice3A_1398 in 1 : vector<256x64xf32>, vector<256x64xf32> -> vector<256x128xf32>
    %add3A_1400 = arith.addf %add3A_1383, %concatenate3A_1399 : vector<256x128xf32>
    %slice3A_1401 = vector.extract_strided_slice %add3A_1392 {offsets = [0, 64], sizes = [256, 64], strides = [1, 1]} : vector<256x128xf32> to vector<256x64xf32>
    %slice3A_1402 = vector.extract_strided_slice %add3A_1392 {offsets = [0, 0], sizes = [256, 64], strides = [1, 1]} : vector<256x128xf32> to vector<256x64xf32>
    %concatenate3A_1403 = tpu.concatenate %slice3A_1401, %slice3A_1402 in 1 : vector<256x64xf32>, vector<256x64xf32> -> vector<256x128xf32>
    %add3A_1404 = arith.addf %add3A_1391, %concatenate3A_1403 : vector<256x128xf32>
    %concatenate3A_1405 = tpu.concatenate %add3A_1400, %add3A_1404 in 1 : vector<256x128xf32>, vector<256x128xf32> -> vector<256x256xf32>
    %swap3A_1406 = arith.constant 768 : i32
    %swap3A_1407 = arith.constant 0 : i32
    %swap3A_1408 = tpu.memref_slice %arg4[%swap3A_1406, %swap3A_1407] : memref<1024x320xf32, #tpu.memory_space<vmem>> -> memref<256x320xf32, #tpu.memory_space<vmem>>
    %swap3A_1409 = arith.constant 0 : index
    %swap3A_1410 = arith.constant 0 : index
    %swap3A_1411 = vector.load %swap3A_1408[%swap3A_1409, %swap3A_1410] : memref<256x320xf32, #tpu.memory_space<vmem>>, vector<256x256xf32>
    tpu.vector_store %swap3A_1408[%swap3A_1409, %swap3A_1410], %concatenate3A_1405 {strides = array<i32>} : memref<256x320xf32, #tpu.memory_space<vmem>>, vector<256x256xf32>,
    %slice3A_1412 = vector.extract_strided_slice %add3A_1396 {offsets = [0, 0], sizes = [256, 64], strides = [1, 1]} : vector<256x128xf32> to vector<256x64xf32>
    %slice3A_1413 = vector.extract_strided_slice %add3A_1396 {offsets = [0, 64], sizes = [256, 64], strides = [1, 1]} : vector<256x128xf32> to vector<256x64xf32>
    %add3A_1414 = arith.addf %slice3A_1412, %slice3A_1413 : vector<256x64xf32>
    %swap3A_1415 = arith.constant 768 : i32
    %swap3A_1416 = arith.constant 0 : i32
    %swap3A_1417 = tpu.memref_slice %arg4[%swap3A_1415, %swap3A_1416] : memref<1024x320xf32, #tpu.memory_space<vmem>> -> memref<256x320xf32, #tpu.memory_space<vmem>>
    %swap3A_1418 = arith.constant 0 : index
    %swap3A_1419 = arith.constant 256 : index
    %swap3A_1420 = vector.load %swap3A_1417[%swap3A_1418, %swap3A_1419] : memref<256x320xf32, #tpu.memory_space<vmem>>, vector<256x64xf32>
    tpu.vector_store %swap3A_1417[%swap3A_1418, %swap3A_1419], %add3A_1414 {strides = array<i32>} : memref<256x320xf32, #tpu.memory_space<vmem>>, vector<256x64xf32>,
    return
  }
  func.func @transform_0(%arg0: i32) -> (i32, i32) {
    %c0_i32 = arith.constant 0 : i32
    %c0_i32_0 = arith.constant 0 : i32
    %c0_i32_1 = arith.constant 0 : i32
    return %c0_i32, %c0_i32_0 : i32, i32
  }
  func.func @transform_1(%arg0: i32) -> (i32, i32) {
    %c0_i32 = arith.constant 0 : i32
    %c0_i32_0 = arith.constant 0 : i32
    return %arg0, %c0_i32 : i32, i32
  }
  func.func @transform_2(%arg0: i32) -> (i32, i32) {
    %c0_i32 = arith.constant 0 : i32
    %c0_i32_0 = arith.constant 0 : i32
    return %arg0, %c0_i32 : i32, i32
  }
  func.func @transform_3(%arg0: i32) -> (i32, i32) {
    %c0_i32 = arith.constant 0 : i32
    %c0_i32_0 = arith.constant 0 : i32
    return %arg0, %c0_i32 : i32, i32
  }
}

</mosaic_0001>

<sc_bundles>
// kernel: scatter_offload_async_start
scs
__scs_entry_jumppad:
0x0: {  	(pc) =	sbr.rel $0x88, $3  }
0x1: {  	(tag) =	ssettag $0x0;
	lr =	simm.s32 $0x1  }
0x2: {  	[smem:$0x3F9D] =	sst lr;
	_ =	strace $0xD0000000  }
0x3: {  	_ = 	snop  }
0x4: {  	_ = 	snop  }
0x5: {  	_ = 	snop  }
0x6: {  	_ = 	snop  }
0x7: {  	_ = 	snop  }
__scs_overlays_trampoline_lowered:
0x8: {  	[smem:$0x3FAC] =	sst s0  }
0x9: {  	[smem:$0x3FAD] =	sst s1  }
0xa: {  	[smem:$0x3FAE] =	sst s2  }
0xb: {  	[smem:$0x3FAF] =	sst s3  }
0xc: {  	[smem:$0x3FB0] =	sst s4  }
0xd: {  	[smem:$0x3FB1] =	sst s5  }
0xe: {  	[smem:$0x3FB2] =	sst s6  }
0xf: {  	[smem:$0x3FB3] =	sst s7  }
0x10: {  	[smem:$0x3FB4] =	sst s8  }
0x11: {  	[smem:$0x3FB5] =	sst s9;
	s0 =	simm.s32 @!p0 $0x0  }
0x12: {  	s1 =	sld [smem:$0x3F9B];
	s0 =	simm.s32 @p0 $0x1  }
0x13: {  	[smem:$0x3FB6] =	sst s0;
	s0 =	simm.s32 @!p1 $0x0  }
0x14: {  	s2 =	sld [smem:$0x3F9A];
	s0 =	simm.s32 @p1 $0x1  }
0x15: {  	[smem:$0x3FB7] =	sst s0;
	s0 =	simm.s32 @!p2 $0x0  }
0x16: {  	s3 =	sld [smem:$0x3FDB];
	s0 =	simm.s32 @p2 $0x1  }
0x17: {  	s4 =	simm.s32 $0x1BF5;
	[smem:$0x3FB9] =	sst s0  }
0x18: {  	s0 =	sld [smem:$0x3F9C];
	_ =	swait.ge [sflag:s4], $0x0  }
0x19: {  	s7 =	sld [smem:$0x3F9D]  }
0x1a: {  	s8 =	sadd.s32 $0xFFFFE003, lr  }
0x1b: {  	s9 =	sadd.s32 $0xFFFFFEF7, lr;
	s5 =	simm.s32 $0xFFFFFFFF;
	p2 =	slt.u32 s8, $0xFFFFF086  }
0x1c: {  	p1 =	slt.u32 s9, $0xF7A;
	s5 =	simm.s32 @!p2 $0x0  }
0x1d: {  	s5 =	simm.s32 @p1 $0x1;
	p0 =	seq.s32 s7, s2  }
0x1e: {  	s7 =	smul.u32 @!p0 $0xF7A, s2;
	p2 =	seq.s32 @!p0 s5, $0x0  }
0x1f: {  	s9 =	smul.u32 $0xF7A, s1;
	s8 =	simm.s32 @!p0 $0x1BF5;
	p2 =	por !p2, p0  }
0x20: {  	[sflag:s8] =	ssyncset.s32 @!p0 $0xFFFFF086;
	s6 =	sadd.s32 @!p0 s3, s7;
	s7 =	simm.s32 @!p0 $0x108  }
0x21: {  	s3 =	sadd.s32 s3, s9;
	s6 =	sadd.s32 @!p0 $0x88, s6;
	s7 =	simm.s32 @p2 $0x1082  }
0x22: {  	[simem:s7], [sflag:s8] =	dma.local @!p0 [hbm:s6], $0xF7A  }
0x23: {  	s9 =	sor.u32 $0xD0000000, s2;
	s6 =	simm.s32 $0x108;
	_ =	swait.ge @!p0 [sflag:s8], $0x0  }
0x24: {  	s3 =	sadd.s32 $0x88, s3;
	s6 =	simm.s32 @!p1 $0x1082;
	[sflag:s4] =	ssyncset.s32 $0xFFFFF086  }
0x25: {  	[simem:s6], [sflag:s4] =	dma.local [hbm:s3], $0xF7A  }
0x26: {  	[smem:$0x3F9D] =	sst s1;
	(tag) =	ssettag s2;
	_ =	strace s9  }
0x27: {  	s1 =	sld [smem:$0x3FAD]  }
0x28: {  	s2 =	sld [smem:$0x3FAE]  }
0x29: {  	s4 =	sld [smem:$0x3FB0]  }
0x2a: {  	p0 =	seq.s32 s5, $0x0;
	s5 =	sld [smem:$0x3FB1]  }
0x2b: {  	s6 =	sld [smem:$0x3FB2]  }
0x2c: {  	s7 =	sld [smem:$0x3FB3]  }
0x2d: {  	s3 =	simm.s32 $0x108;
	s8 =	sld [smem:$0x3FB4]  }
0x2e: {  	s3 =	simm.s32 @!p0 $0x1082;
	s9 =	sld [smem:$0x3FB5]  }
0x2f: {  	lr =	sadd.s32 s0, s3;
	s0 =	sld [smem:$0x3FAC]  }
0x30: {  	s3 =	sld [smem:$0x3FAF]  }
0x31: {  	[smem:$0x3FB8] =	sst s10  }
0x32: {  	s10 =	sld [smem:$0x3FB6];
	_ =	sdelay $0x3  }
0x33: {  	p0 =	seq.s32 s10, $0x1;
	s10 =	sld [smem:$0x3FB8];
	_ =	sdelay $0x3  }
0x34: {  	[smem:$0x3FB8] =	sst s10  }
0x35: {  	s10 =	sld [smem:$0x3FB7];
	_ =	sdelay $0x3  }
0x36: {  	p1 =	seq.s32 s10, $0x1;
	s10 =	sld [smem:$0x3FB8];
	_ =	sdelay $0x3  }
0x37: {  	[smem:$0x3FB8] =	sst s10  }
0x38: {  	s10 =	sld [smem:$0x3FB9]  }
0x39: {  	_ = 	snop;
	(pc) =	sbr.ind lr, $3  }
0x3a: {  	_ = 	snop  }
0x3b: {  	_ = 	snop  }
0x3c: {  	p2 =	seq.s32 s10, $0x1;
	s10 =	sld [smem:$0x3FB8]  }
0x3d: {  	_ =	shalt  }
0x3e: {  	_ =	shalt  }
0x3f: {  	_ =	shalt  }
0x40: {  	_ =	shalt  }
0x41: {  	_ =	shalt  }
0x42: {  	_ =	shalt  }
0x43: {  	_ =	shalt  }
0x44: {  	_ =	shalt  }
0x45: {  	_ =	shalt  }
0x46: {  	_ =	shalt  }
0x47: {  	_ =	shalt  }
0x48: {  	_ =	shalt  }
0x49: {  	_ =	shalt  }
0x4a: {  	_ =	shalt  }
0x4b: {  	_ =	shalt  }
0x4c: {  	_ =	shalt  }
0x4d: {  	_ =	shalt  }
0x4e: {  	_ =	shalt  }
0x4f: {  	_ =	shalt  }
0x50: {  	_ =	shalt  }
0x51: {  	_ =	shalt  }
0x52: {  	_ =	shalt  }
0x53: {  	_ =	shalt  }
0x54: {  	_ =	shalt  }
0x55: {  	_ =	shalt  }
0x56: {  	_ =	shalt  }
0x57: {  	_ =	shalt  }
0x58: {  	_ =	shalt  }
0x59: {  	_ =	shalt  }
0x5a: {  	_ =	shalt  }
0x5b: {  	_ =	shalt  }
0x5c: {  	_ =	shalt  }
0x5d: {  	_ =	shalt  }
0x5e: {  	_ =	shalt  }
0x5f: {  	_ =	shalt  }
0x60: {  	_ =	shalt  }
0x61: {  	_ =	shalt  }
0x62: {  	_ =	shalt  }
0x63: {  	_ =	shalt  }
0x64: {  	_ =	shalt  }
0x65: {  	_ =	shalt  }
0x66: {  	_ =	shalt  }
0x67: {  	_ =	shalt  }
0x68: {  	_ =	shalt  }
0x69: {  	_ =	shalt  }
0x6a: {  	_ =	shalt  }
0x6b: {  	_ =	shalt  }
0x6c: {  	_ =	shalt  }
0x6d: {  	_ =	shalt  }
0x6e: {  	_ =	shalt  }
0x6f: {  	_ =	shalt  }
0x70: {  	_ =	shalt  }
0x71: {  	_ =	shalt  }
0x72: {  	_ =	shalt  }
0x73: {  	_ =	shalt  }
0x74: {  	_ =	shalt  }
0x75: {  	_ =	shalt  }
0x76: {  	_ =	shalt  }
0x77: {  	_ =	shalt  }
0x78: {  	_ =	shalt  }
0x79: {  	_ =	shalt  }
0x7a: {  	_ =	shalt  }
0x7b: {  	_ =	shalt  }
0x7c: {  	_ =	shalt  }
0x7d: {  	_ =	shalt  }
0x7e: {  	_ =	shalt  }
0x7f: {  	_ =	shalt  }
0x80: {  	_ =	shalt  }
0x81: {  	_ =	shalt  }
0x82: {  	_ =	shalt  }
0x83: {  	_ =	shalt  }
0x84: {  	_ =	shalt  }
0x85: {  	_ =	shalt  }
0x86: {  	_ =	shalt  }
0x87: {  	_ =	shalt  }
.Lfunc_end0:
.L_simem_size_0:
called_computation_lowered:
.L_overlay_start_0:
0x88: {  	s0 =	sld [smem:$0x3FD9]  }
0x89: {  	s1 =	sld [smem:$0x3FFE];
	_ =	sdelay $0x3  }
0x8a: {  	s0 =	sadd.s32 s1, s0  }
0x8b: {  	[smem:$0x3FC4] =	sst s0  }
0x8c: {  	_ = 	snop  }
0x8d: {  	s0 =	sld [smem:$0x3FD0];
	(tm) =	ssettm $0x1  }
0x8e: {  	s16 =	sld [smem:$0x3FFB];
	_ =	sdelay $0x3  }
0x8f: {  	_ =	strace s16  }
0x90: {  	s1 =	sld [smem:$0x3FFC];
	_ =	sdelay $0x3  }
0x91: {  	_ =	strace s1  }
0x92: {  	s1 =	sld [smem:$0x3FFD];
	_ =	sdelay $0x3  }
0x93: {  	_ =	strace s1  }
0x94: {  	_ =	strace $0x8FFFFFFF  }
0x95: {  	s17 =	sld [smem:$0x3FDB];
	_ =	sdelay $0x1  }
0x96: {  	s2 =	simm.s32 $_scs_section_size  }
0x97: {  	s3 =	simm.s32 $_size__tile_overlayer_lowered;
	s4 =	simm.s32 $_tile_overlayer_lowered  }
0x98: {  	s20 =	simm.s32 $0x1BFF;
	s19 =	sshll.u32 s4, $0x1;
	s1 =	sadd.s32 s2, s17  }
0x99: {  	s5 =	simm.s32 $0x0;
	s18 =	sshll.u32 s3, $0x1;
	s3 =	sadd.s32 s19, s1  }
0x9a: {  	[timem:s5], [sflag:s20] =	dma.local [hbm:s3], s18  }
0x9b: {  	_ =	swait.ge [sflag:s20], s18  }
0x9c: {  	s2 =	ssub.s32 $0x0, s18;
	[sflag:s20] =	ssyncset.done $0x0  }
0x9d: {  	[sflag:s20] =	ssyncadd.s32 s2;
	_ =	sdelay $0x1  }
0x9e: {  	s21 =	simm.s32 $0x1B8B  }
0x9f: {  	_ =	swait.ge [sflag:s21], $0x1  }
0xa0: {  	[sflag:s21] =	ssyncset.done $0x0  }
0xa1: {  	s23 =	simm.s32 $0x1B8E;
	s22 =	sld [smem:$0x3FFE];
	[sflag:s21] =	ssyncadd.s32 $0xFFFFFFFF  }
0xa2: {  	s24 =	simm.s32 $execute0_lowered;
	[smem:$0x3FD2] =	sst s23  }
0xa3: {  	s3 =	sshll.u32 s24, $0x1;
	_ =	strace $0x80000046;
	[dreg:$0x1] =	wrdreg $0xFFFFFFFF  }
0xa4: {  	s25 =	simm.s32 $_size_execute0_lowered;
	s1 =	sadd.s32 s1, s3;
	[dreg:$0x0] =	wrdreg $0x0  }
0xa5: {  	s3 =	sshll.u32 s25, $0x1;
	[dreg:$0x2] =	wrdreg s1  }
0xa6: {  	[dreg:$0x3] =	wrdreg s3  }
0xa7: {  	[dreg:$0x4] =	wrdreg $0xC0  }
0xa8: {  	_ =	task [dreg:s5], $0x5FFFF  }
0xa9: {  	[dreg:$0x1] =	wrdreg $0xFFFFFFFF  }
0xaa: {  	[dreg:$0x0] =	wrdreg $0x60  }
0xab: {  	[dreg:$0x2] =	wrdreg s0  }
0xac: {  	[dreg:$0x3] =	wrdreg s22  }
0xad: {  	[dreg:$0x4] =	wrdreg $0x9  }
0xae: {  	_ =	task.clear_ibuf [dreg:s5], $0x5FFFF;
	_ =	strace $0x90000046  }
0xaf: {  	s26 =	simm.s32 $0x9;
	_ =	strace $0x80000048  }
0xb0: {  	_ =	swait.ge [sflag:s26], $0x1  }
0xb1: {  	[sflag:s26] =	ssyncadd.s32 $0xFFFFFFFF  }
0xb2: {  	_ =	strace $0x90000048  }
0xb3: {  	_ =	sfence  }
0xb4: {  	s28 =	sld [smem:$0x0];
	_ =	sdelay $0x1  }
0xb5: {  	s29 =	srdreg.scid  }
0xb6: {  	s30 =	sshll.u32 s29, $0xD;
	s31 =	sshrl.u32 s29, $0x2  }
0xb7: {  	s2 =	sand.u32 $0x4000, s30;
	s1 =	sand.u32 $0x1, s29;
	s0 =	sadd.s32 s31, s28  }
0xb8: {  	s1 =	sor.u32 s2, s1;
	s0 =	sshll.u32 s0, $0x11  }
0xb9: {  	s0 =	sor.u32 s0, s1  }
0xba: {  	s0 =	sadd.s32 $0x8F2B, s0  }
0xbb: {  	[sflag:s0] =	ssyncadd.remote.s32 $0x1  }
0xbc: {  	_ =	sfence.sel $0xFFFF  }
0xbd: {  	[dreg:$0x0] =	wrdreg $0xFFFFFFFF;
	(pc) =	sbr.abs _section_cstart, $3  }
0xbe: {  	[dreg:$0x1] =	wrdreg $0xFFFFFFFF  }
0xbf: {  	_ =	task.clear_ibuf [dreg:s5], $0x2FFFF;
	_ =	strace $0x9FFFFFFF  }
0xc0: {  	(tm) =	ssettm $0x7FFFFFFF  }
0xc1: {  	_ =	shalt  }
tec
execute0_lowered:
.L_overlay_start_1:
0x0: {  	(tag) =	ssettag $0x1  }
0x1: {  	s1 =	rddreg [dreg:$0x0]  }
0x2: {  	s7 =	rddreg [dreg:$0x1]  }
0x3: {  	s0 =	rddreg [dreg:$0x2];
	_ =	strace $0x80000047;
	s2 =	simm.s32 $0x1  }
0x4: {  	v1 =	vimm.s32 $0xFFFFFFFF;
	[sflag:s2] =	ssyncpa.u1 $0x0  }
0x5: {  	[tilespmem:$0x10] =	vst v1  }
0x6: {  	v0 =	vimm.f32 $0.0e+00;
	[tilespmem:$0x20] =	vst v1  }
0x7: {  	[tilespmem:$0x30] =	vst v0  }
0x8: {  	[tilespmem:$0x40] =	vst v0  }
0x9: {  	[tilespmem:$0x50] =	vst v0  }
0xa: {  	s3 =	simm.s32 $0x0;
	s4 =	simm.s32 $0x0;
	s5 =	simm.s32 $0x2;
	[tilespmem:$0x60] =	vst v1  }
0xb: {  	s6 =	simm.s32 $0x8;
	s30 =	simm.s32 $0x9;
	s17 =	simm.s32 $0x100;
	[tilespmem:$0x70] =	vst v1  }
0xc: {  	s18 =	simm.s32 $0xF;
	s19 =	simm.s32 $0x30;
	s20 =	simm.s32 $0x0;
	[tilespmem:$0x80] =	vst v1  }
0xd: {  	s22 =	simm.s32 $0x0;
	s21 =	simm.s32 $0x0;
	s2 =	stileid.u32;
	v1 =	vimm.s32 $0x0;
	[tilespmem:$0xB0] =	vst v0  }
0xe: {  	p0 =	seq.s32 s2, $0x0;
	s10 =	sshll.u32 s2, $0x1;
	s13 =	sshllo.u32 s2, $0x1;
	[tilespmem:$0x90] =	vst v1  }
0xf: {  	[tilespmem:$0xA0] =	vst v1;
	s4 =	simm.s32 @!p0 $0x10;
	[sflag:s5] =	ssyncpa.u1 $0x0;
	s5 =	simm.s32 $0x7  }
.Ltmp0:
0x10: {  	s12 =	sor.u32 $0x81, s10;
	s14 =	sor.u32 $0x80, s10;
	(pc) =	sbr.rel .LBB2_1-.Ltmp0, $4  }
0x11: {  	s8 =	sshrl.u32 s4, $0x3;
	[sflag:s5] =	ssyncpa.u1 $0x0;
	s31 =	sshrl.u32 s4, $0x4  }
0x12: {  	s9 =	sadd.s32 s8, s7;
	[sflag:s6] =	ssyncpa.u1 $0x0;
	s7 =	sadd.s32 $0x600, s7  }
0x13: {  	vm0 =	vmmov $0xffff;
	s8 =	sxor.u32 $0x1, s31;
	[sflag:s30] =	ssyncpa.u1 $0x0;
	s9 =	sadd.s32 $0x400, s9  }
0x14: {  	v2 =	vlaneseq.u32;
	vm1 =	vmxor vm1, vm1;
	vm2 =	vmmov $0x1;
	s11 =	sor.u32 $0x2, s8;
	s15 =	sadd.s32 $0x3, s8;
	s16 =	sadd.s32 $0x1, s8  }
.LBB2_5:
0x15: {  	p0 =	slt.u32 s21, $0x3  }
0x16: {  	s21 =	sadd.s32 $0x1, s21;
	s22 =	simm.s32 @!p0 $0x2  }
0x17: {  	p1 =	sne.s32 s15, s21;
	_ =	swait.ge @!p0 [sflag:s22], $0x10  }
.Ltmp1:
0x18: {  	[sflag:s22] =	ssyncset.done @!p0 $0x0;
	(pc) =	sbr.rel @!p1 .LBB2_6-.Ltmp1, $4  }
0x19: {  	[sflag:s22] =	ssyncadd.s32 @!p0 $0xFFFFFFF0;
	s22 =	simm.s32 @!p0 $0x9  }
0x1a: {  	_ =	swait.ge @!p0 [sflag:s22], $0x10  }
0x1b: {  	[sflag:s22] =	ssyncset.done @!p0 $0x0  }
0x1c: {  	s20 =	sadd.s32 $0x10, s20;
	[sflag:s22] =	ssyncadd.s32 @!p0 $0xFFFFFFF0;
	s22 =	smov.u32 s4  }
.LBB2_1:
0x1d: {  	s23 =	sor.u32 s2, s21  }
0x1e: {  	p0 =	sne.s32 s23, $0x0  }
0x1f: {  	s31 =	sadd.s32 $0xFFFFFFFF, s21;
	s23 =	simm.s32 @!p0 $0x0;
	s24 =	simm.s32 @!p0 $0x100  }
0x20: {  	[tilespmem:s24], [sflag:$0x7] =	stream.linear.gather @!p0 [hbm4b:s9+s23], $0x10, $0x38;
	[tilespmem:$0x190] =	vst v63  }
0x21: {  	p0 =	sge.u32 s31, s8  }
.Ltmp2:
0x22: {  	_ = 	snop;
	(pc) =	sbr.rel @p0 .LBB2_3-.Ltmp2, $1  }
0x23: {  	_ =	sdelay $0x3  }
0x24: {  	p0 =	seq.s32 s21, $0x1;
	s23 =	simm.s32 $0x10  }
0x25: {  	s23 =	simm.s32 @!p0 $0x0  }
0x26: {  	s24 =	simm.s32 $0xFFFFFFF0;
	_ =	swait.ge [sflag:s5], s23  }
0x27: {  	s24 =	simm.s32 @!p0 $0x0;
	[sflag:s5] =	ssyncset.done $0x0  }
0x28: {  	[sflag:s5] =	ssyncadd.s32 s24;
	(ifvalue) =	ssetifvalue $0xFFFFFFFF;
	v3 =	vld.msk [tilespmem:s17+$0x0 ss:$0x1], $0xffff;
	_ =	sdelay $0x4  }
0x29: {  	v4 =	vshrl.u32 v3, $0x2  }
0x2a: {  	vm3 =	veq.s32 v3, $0x80000000;
	v5 =	vand.u32 $0x3, v3;
	v3 =	vshll.u32 v3, $0x4  }
0x2b: {  	v4 =	vand.u32 $0x7, v4;
	v3 =	vand.u32 $0xE00, v3  }
0x2c: {  	v5 =	vsel vm3, $0xFFFFFFFF, v5;
	v4 =	vsel vm3, $0xFFFFFFFF, v4;
	v3 =	vsel vm3, $0xFFFFFE00, v3  }
0x2d: {  	v7 =	vand.u32 $0xFFFFFE00, v5;
	v5 =	vshll.u32 v5, $0x7;
	v6 =	vand.u32 $0x7F, v4  }
0x2e: {  	v3 =	vadd.s32 v7, v3;
	v4 =	vand.u32 $0xFFFFFE00, v4;
	v5 =	vand.u32 $0x180, v5  }
0x2f: {  	p0 =	sne.s32 s21, $0x1;
	v3 =	vadd.s32 v4, v3;
	v57 =	vor.u32 v6, v5  }
0x30: {  	v5 =	vimm.s32 @!p0 $0x0;
	v4 =	vor.u32 v3, v57  }
0x31: {  	v5 =	vperm.xlane @!p0 v4, v5  }
0x32: {  	vm3 =	vlt.u32 v3, $0xA00  }
0x33: {  	s30 =	sand.u32 $0x10, s20;
	v3 =	vnsel vm3, $0xFFFFFFFE, v4;
	vm3 =	vlt.u32 @!p0 v5, $0xA00  }
0x34: {  	[tilespmem:s30+$0x60] =	vst v3;
	v3 =	vnsel @!p0 vm3, $0xFFFFFFFE, v5  }
0x35: {  	[tilespmem:$0x80] =	vst @!p0 v3  }
0x36: {  	v3 =	vld.msk [tilespmem:s17+$0x0 ss:$0x1], $0xffff;
	_ =	sdelay $0x4  }
0x37: {  	v58 =	vshrl.u32 v3, $0x2  }
0x38: {  	vm3 =	veq.s32 v3, $0x80000000;
	v59 =	vand.u32 $0x3, v3;
	v3 =	vshll.u32 v3, $0x4  }
0x39: {  	v4 =	vand.u32 $0x7, v58;
	v3 =	vand.u32 $0xE00, v3  }
0x3a: {  	v5 =	vsel vm3, $0xFFFFFFFF, v59;
	v4 =	vsel vm3, $0xFFFFFFFF, v4;
	v3 =	vsel vm3, $0xFFFFFE00, v3  }
0x3b: {  	v61 =	vand.u32 $0xFFFFFE00, v5;
	v5 =	vshll.u32 v5, $0x7;
	v60 =	vand.u32 $0x7F, v4  }
0x3c: {  	v3 =	vadd.s32 v61, v3;
	v4 =	vand.u32 $0xFFFFFE00, v4;
	v5 =	vand.u32 $0x180, v5  }
0x3d: {  	v3 =	vadd.s32 v4, v3;
	v62 =	vor.u32 v60, v5  }
0x3e: {  	v4 =	vor.u32 v3, v62  }
0x3f: {  	(xrf1) =	vunique.msk.u32 $0xffff, v4;
	_ =	sdelay $0xd  }
0x40: {  	v63, _, _ =	vpop (xrf1)  }
0x41: {  	vm4 =	vne.s32 v4, $0xFFFFFFFF;
	vm3 =	veq.s32 v63, v2  }
0x42: {  	vm5 =	vlt.u32 v3, $0xA00;
	vm3 =	vmand vm4, vm3  }
0x43: {  	vm3 =	vmand vm5, vm3  }
0x44: {  	v3 =	vnsel vm3, $0xFFFFFFFF, v4;
	_ =	sdelay $0x2  }
0x45: {  	s23 =	sxor.u32 $0x10, s30  }
0x46: {  	s22 =	sshrl.u32 s22, $0x3;
	s31 =	sadd.s32 $0x110, s23;
	(ifvalue) =	ssetifvalue $0xFFFFFFFF  }
0x47: {  	[tilespmem:s31], [sflag:$0x8] =	stream.indirect_vreg.gather [hbm4b:s1+s3], $0x1, v3, vm0, $0x4038;
	v3 =	vnsel vm5, $0xFFFFFFFE, v3;
	[tilespmem:$0x190] =	vst v63  }
0x48: {  	s22 =	sadd.s32 s7, s22;
	s23 =	sadd.s32 $0x130, s23;
	[tilespmem:$0x100] =	vst v3  }
0x49: {  	[tilespmem:s23], [sflag:$0x8] =	stream.linear.gather [hbm:s22], $0x10, $0x38;
	[tilespmem:$0x190] =	vst v63  }
.LBB2_3:
0x4a: {  	p0 =	slt.u32 s21, $0x2  }
0x4b: {  	p1 =	sge.u32 @!p0 s21, s11  }
0x4c: {  	p0 =	por p0, p1  }
.Ltmp3:
0x4d: {  	_ = 	snop;
	(pc) =	sbr.rel @p0 .LBB2_5-.Ltmp3, $1  }
0x4e: {  	_ =	sdelay $0x3  }
0x4f: {  	_ =	swait.ge [sflag:s6], $0x20  }
0x50: {  	p0 =	sne.s32 s16, s21;
	[sflag:s6] =	ssyncset.done $0x0  }
0x51: {  	s22 =	simm.s32 @!p0 $0x10F;
	s23 =	simm.s32 @!p0 $0x1;
	[sflag:s6] =	ssyncadd.s32 $0xFFFFFFE0  }
0x52: {  	[spmem:s12] =	stream.linear.scatter @!p0 [tilespmem:s22], [sflag:$0x1], $0x1, $0x38;
	[tilespmem:$0x190] =	vst v63  }
0x53: {  	_ =	swait.ge @!p0 [sflag:s23], $0x1  }
0x54: {  	[sflag:s23] =	ssyncset.done @!p0 $0x0  }
0x55: {  	s22 =	sand.u32 $0x10, s20;
	[sflag:s23] =	ssyncadd.s32 @!p0 $0xFFFFFFFF  }
0x56: {  	s25 =	sxor.u32 $0x10, s22;
	v3 =	vld [tilespmem:s22+$0x10]  }
0x57: {  	v4 =	vld [tilespmem:s25+$0x60]  }
0x58: {  	v5 =	vld [tilespmem:$0x80];
	_ =	sdelay $0x2  }
0x59: {  	(v2sf) =	vpush v3, $0x0  }
0x5a: {  	(v2sf) =	vpush v4, $0x0  }
0x5b: {  	(v2sf) =	vpush v5, $0x0;
	_ =	sdelay $0xc  }
0x5c: {  	s26 =	spop (v2sf)  }
0x5d: {  	s28 =	spop (v2sf)  }
0x5e: {  	s24 =	spop (v2sf)  }
0x5f: {  	p1 =	seq.s32 s26, s28;
	p2 =	seq.s32 s24, s26  }
0x60: {  	p2 =	por p1, p2  }
0x61: {  	v3 =	vpsel p2, $0xFFFFFFFF, v3  }
0x62: {  	v56 =	vld [tilespmem:s22+$0x130];
	[tilespmem:s22+$0x10] =	vst.msk $0x1, v3  }
0x63: {  	v3 =	vld [tilespmem:$0x30]  }
0x64: {  	v6 =	vld [tilespmem:s22+$0x40];
	_ =	sdelay $0x3  }
0x65: {  	vm3 =	vmmov vm1;
	v4 =	vadd.f32 v56, v3  }
0x66: {  	vm4 =	vmmov vm2;
	vm3 =	vmmov @p1 vm2;
	v3 =	vadd.f32 v6, v3  }
0x67: {  	vm4 =	vmmov @p2 vm1;
	[tilespmem:s22+$0x130] =	vst.msk vm3, v4  }
0x68: {  	[tilespmem:s22+$0x170] =	vst.msk vm4, v3  }
0x69: {  	v3 =	vld [tilespmem:s22+$0x110];
	_ =	sdelay $0x4  }
0x6a: {  	v3 =	vshift.insert v3, v0, s18  }
0x6b: {  	s30 =	sor.u32 $0x40, s25  }
0x6c: {  	[tilespmem:s30+$0x0] =	vst.msk $0x1, v3  }
0x6d: {  	[tilespmem:s22+$0x11F] =	vst.msk $0x1, v0  }
0x6e: {  	v3 =	vld [tilespmem:$0x100];
	_ =	sdelay $0x4  }
0x6f: {  	v3 =	vshift.insert v3, v1, s18;
	_ =	sdelay $0x1  }
0x70: {  	[tilespmem:s25+$0x10] =	vst.msk $0x1, v3  }
0x71: {  	v4 =	vld [tilespmem:s22+$0x130]  }
0x72: {  	v57 =	vld [tilespmem:$0x100];
	_ =	sdelay $0x3  }
0x73: {  	v4 =	vadd.f32 $0.0e+00, v4  }
0x74: {  	vm3 =	vne.s32 v57, $0xFFFFFFFF  }
0x75: {  	(xrf2) =	vadd.seg.scan.f32 vm3, v4;
	_ =	sdelay $0x3  }
0x76: {  	v58 =	vperm.xlane v3, v1  }
0x77: {  	v7 =	vld [tilespmem:s22+$0x110]  }
0x78: {  	vm14 =	veq.s32 v57, v58;
	vm3 =	veq.s32 v57, v5  }
0x79: {  	vm5 =	vgt.u32 v57, $0xFFFFFFFD;
	vm4 =	vmor vm14, vm3  }
0x7a: {  	vm4 =	vmor vm4, vm5  }
0x7b: {  	v59 =	vsel vm4, $0xFFFFFFFF, v57  }
0x7c: {  	v61 =	vsel vm3, $0x0, v7;
	v60, _, _ =	vpop (xrf2)  }
0x7d: {  	v6 =	vadd.f32 v60, v61  }
0x7e: {  	v62 =	vld [tilespmem:$0xA0]  }
0x7f: {  	s31 =	sadd.s32 $0x150, s22;
	v8 =	vld [tilespmem:$0x90];
	[tilespmem:s22+$0x150] =	vst v6;
	(ifvalue) =	ssetifvalue $0xFFFFFFFF  }
0x80: {  	[hbm4b:s1+s3] =	stream.indirect_vreg.scatter [tilespmem:s31], [sflag:$0x2], $0x1, v59, vm0, $0x4038;
	[tilespmem:$0x190] =	vst v63  }
0x81: {  	v4 =	vld [tilespmem:s22+$0x150];
	_ =	sdelay $0x4  }
0x82: {  	v4 =	vshift.insert v4, v0, s18  }
0x83: {  	vm15 =	veq.s32 v62, $0x1  }
0x84: {  	vm4 =	vmor vm15, vm3;
	v5 =	vsel vm3, v60, v8;
	[tilespmem:s19+$0x0] =	vst.msk $0x1, v4  }
0x85: {  	v63 =	vsel vm4, $0x1, v1;
	[tilespmem:$0x90] =	vst v5  }
0x86: {  	s25 =	sadd.s32 @!p0 $0x15F, s22;
	[tilespmem:$0xA0] =	vst v63  }
0x87: {  	[spmem:s13] =	stream.linear.scatter @!p0 [tilespmem:s25], [sflag:$0x1], $0x1, $0x38;
	[tilespmem:$0x190] =	vst v63  }
0x88: {  	v4 =	vmctz.xlane @!p0 vm4;
	_ =	swait.ge @!p0 [sflag:s23], $0x1  }
0x89: {  	(v2sf) =	vpush @!p0 v3, $0x0  }
0x8a: {  	(v2sf) =	vpush @!p0 v4, $0x0;
	_ =	sdelay $0xd  }
0x8b: {  	s25 =	spop @!p0 (v2sf)  }
0x8c: {  	s26 =	spop @!p0 (v2sf)  }
0x8d: {  	p1 =	sne.s32 @!p0 s24, s25;
	p2 =	slt.s32 @!p0 s26, $0xF  }
0x8e: {  	[sflag:s23] =	ssyncset.done @!p0 $0x0;
	p1 =	por p1, p0;
	p2 =	por !p2, p0  }
0x8f: {  	[sflag:s23] =	ssyncadd.s32 @!p0 $0xFFFFFFFF;
	v3 =	vimm.s32 @!p1 $0xFFFFFFFF;
	s26 =	simm.s32 @p2 $0xF  }
0x90: {  	[tilespmem:$0x80] =	vst @!p1 v3;
	s24 =	sadd.s32 @!p0 $0x90, s26  }
0x91: {  	[spmem:s10] =	stream.linear.scatter @!p0 [tilespmem:s24], [sflag:$0x1], $0x1, $0x38;
	[tilespmem:$0x190] =	vst v63  }
0x92: {  	_ =	swait.ge @!p0 [sflag:s23], $0x1  }
0x93: {  	[sflag:s23] =	ssyncset.done @!p0 $0x0  }
0x94: {  	s24 =	simm.s32 @!p0 $0x80;
	[sflag:s23] =	ssyncadd.s32 @!p0 $0xFFFFFFFF  }
0x95: {  	[spmem:s14] =	stream.linear.scatter @!p0 [tilespmem:s24], [sflag:$0x1], $0x1, $0x38;
	[tilespmem:$0x190] =	vst v63  }
0x96: {  	_ =	swait.ge @!p0 [sflag:s23], $0x1  }
0x97: {  	[sflag:s23] =	ssyncset.done @!p0 $0x0  }
0x98: {  	[sflag:s23] =	ssyncadd.s32 @!p0 $0xFFFFFFFF;
	(ifvalue) =	ssetifvalue $0xFFFFFFFF;
	v3 =	vld [tilespmem:s22+$0x10];
	_ =	sdelay $0x3  }
.Ltmp4:
0x99: {  	_ = 	snop;
	(pc) =	sbr.rel .LBB2_5-.Ltmp4, $3  }
0x9a: {  	_ =	sdelay $0x1  }
0x9b: {  	s22 =	sadd.s32 $0x170, s22;
	(ifvalue) =	ssetifvalue $0xFFFFFFFF  }
0x9c: {  	[hbm4b:s1+s3] =	stream.indirect_vreg.scatter [tilespmem:s22], [sflag:$0x9], $0x1, v3, vm0, $0x4038;
	[tilespmem:$0x190] =	vst v63  }
.LBB2_6:
0x9d: {  	_ =	sfence.sel $0x180000  }
0x9e: {  	s3 =	simm.s32 $0x7;
	[bflag:$0x0] =	sbarrier.arrive $0xFFFF  }
0x9f: {  	s26 =	simm.s32 $0x8;
	[sflag:s3] =	ssyncpa.u1 $0x1  }
0xa0: {  	s28 =	simm.s32 $0x9;
	[sflag:s26] =	ssyncpa.u1 $0x1  }
0xa1: {  	[sflag:s28] =	ssyncpa.u1 $0x1  }
0xa2: {  	_ =	sfence.stream.spmem  }
0xa3: {  	s29 =	simm.s32 $0x3;
	[bflag:$0x0] =	sbarrier.arrive $0xFFFF  }
0xa4: {  	s30 =	simm.s32 $0x4;
	[sflag:s29] =	ssyncpa.u1 $0x1  }
0xa5: {  	s31 =	simm.s32 $0x3C;
	[sflag:s30] =	ssyncpa.u1 $0x1  }
0xa6: {  	p0 =	sne.s32 s2, $0x0;
	[sflag:s31] =	ssyncpa.u1 $0x1  }
0xa7: {  	s0 =	simm.s32 @p0 $0x1;
	_ =	sfence @p0  }
0xa8: {  	[sflag:s0] =	ssyncpa.u1 @p0 $0x1;
	s0 =	simm.s32 @p0 $0x2  }
0xa9: {  	[sflag:s0] =	ssyncpa.u1 @p0 $0x1  }
0xaa: {  	_ =	strace @p0 $0x90000047  }
0xab: {  	[bflag:$0x2] =	sbarrier.arrive @p0 $0xFFFF  }
0xac: {  	_ =	shalt @p0  }
.LBB2_7:
0xad: {  	_ =	sfence.stream.spmem;
	s4 =	simm.s32 $0x5  }
0xae: {  	s2 =	simm.s32 $0x80;
	s3 =	simm.s32 $0xC0;
	[sflag:s4] =	ssyncpa.u1 $0x0  }
0xaf: {  	[tilespmem:s3], [sflag:$0x5] =	stream.linear.gather [spmem:s2], $0x2, $0x38;
	[tilespmem:$0x190] =	vst v63  }
0xb0: {  	s2 =	simm.s32 $0x0;
	s3 =	simm.s32 $0xE0  }
0xb1: {  	[tilespmem:s3], [sflag:$0x5] =	stream.linear.gather [spmem:s2], $0x2, $0x38;
	[tilespmem:$0x190] =	vst v63  }
.Ltmp5:
0xb2: {  	_ = 	snop;
	(pc) =	sbr.rel .LBB2_8-.Ltmp5, $4  }
0xb3: {  	_ =	swait.ge [sflag:s4], $0x4  }
0xb4: {  	[sflag:s4] =	ssyncset.done $0x0  }
0xb5: {  	s31 =	simm.s32 $0x6;
	[sflag:s4] =	ssyncadd.s32 $0xFFFFFFFC  }
0xb6: {  	p1 =	por $0x1, $0x1;
	s4 =	simm.s32 $0x0;
	[sflag:s31] =	ssyncpa.u1 $0x0  }
.LBB2_13:
0xb7: {  	p1 =	sgt.u32 s5, $0x9FF  }
0xb8: {  	s6 =	sshrl.u32 @!p1 s5, $0x3  }
0xb9: {  	s5 =	sand.u32 @!p1 $0x7, s5;
	s7 =	simm.s32 @!p1 $0xB0;
	s6 =	sadd.s32 @!p1 s1, s6  }
0xba: {  	[tilespmem:s7], [sflag:$0x6] =	stream.linear.gather @!p1 [hbm4b:s6+s5], $0x1, $0x38;
	[tilespmem:$0x190] =	vst v63  }
0xbb: {  	s5 =	simm.s32 @!p1 $0x6  }
0xbc: {  	_ =	swait.ge @!p1 [sflag:s5], $0x1  }
0xbd: {  	[sflag:s5] =	ssyncset.done @!p1 $0x0  }
0xbe: {  	[sflag:s5] =	ssyncadd.s32 @!p1 $0xFFFFFFFF  }
0xbf: {  	v2 =	vmov @!p1 s4;
	v1 =	vld.msk @!p1 [tilespmem:$0xB0], $0x1;
	_ =	sdelay $0x3  }
0xc0: {  	s5 =	simm.s32 @!p1 $0xE0  }
0xc1: {  	[tilespmem:v2+s5+$0x0], v1 =	vst.idx.ret.add.f32.msk @!p1 $0x1, v1  }
0xc2: {  	[tilespmem:s2+$0xC0] =	vst.msk $0x1, v0  }
0xc3: {  	v0 =	vld.msk [tilespmem:s4+$0xE0], $0x1;
	_ =	sdelay $0x4  }
0xc4: {  	[tilespmem:s2+$0xE0] =	vst.msk $0x1, v0;
	s2 =	sadd.s32 $0x1, s2  }
.LBB2_15:
.Ltmp6:
0xc5: {  	(pc) =	sbr.rel @!p0 .LBB2_16-.Ltmp6, $2  }
0xc6: {  	_ =	sdelay $0x2  }
0xc7: {  	s4 =	simm.s32 $0x1;
	p1 =	por $0x0, $0x0  }
.LBB2_8:
0xc8: {  	v0 =	vld.msk [tilespmem:s4+$0xC0], $0x1;
	_ =	sdelay $0x4  }
0xc9: {  	(v2sf) =	vpush v0, $0x0;
	_ =	sdelay $0xe  }
0xca: {  	s5 =	spop (v2sf)  }
0xcb: {  	p2 =	seq.s32 s5, $0xFFFFFFFF  }
.Ltmp7:
0xcc: {  	_ = 	snop;
	(pc) =	sbr.rel @p2 .LBB2_15-.Ltmp7, $2  }
0xcd: {  	_ =	sdelay $0x2  }
0xce: {  	p0 =	por p1, p1  }
0xcf: {  	p1 =	slt.s32 s2, $0x1  }
.Ltmp8:
0xd0: {  	_ = 	snop;
	(pc) =	sbr.rel @p1 .LBB2_13-.Ltmp8, $1  }
0xd1: {  	_ =	sdelay $0x3  }
0xd2: {  	s6 =	simm.s32 $0xC0;
	p1 =	por $0x0, $0x0  }
0xd3: {  	v1 =	vld.msk @!p1 [tilespmem:s6+$0x0], $0x1;
	_ =	sdelay $0x4  }
0xd4: {  	(v2sf) =	vpush @!p1 v1, $0x0;
	_ =	sdelay $0xd  }
0xd5: {  	p3 =	sne.s32 s2, $0x1  }
.Ltmp9:
0xd6: {  	s7 =	spop @!p1 (v2sf);
	(pc) =	sbr.rel @!p3 .LBB2_12-.Ltmp9, $4  }
0xd7: {  	p2 =	seq.s32 @!p1 s5, s7  }
0xd8: {  	s7 =	simm.s32 $0x0;
	p2 =	por !p2, p1  }
0xd9: {  	s9 =	simm.s32 $0xFFFFFFFF;
	s7 =	simm.s32 @p2 $0xFFFFFFFF  }
0xda: {  	s8 =	simm.s32 $0x1;
	s7 =	smov.u32 @p1 s9  }
.LBB2_11:
0xdb: {  	s9 =	smov.u32 s7;
	p1 =	sne.s32 s7, $0xFFFFFFFF  }
0xdc: {  	s6 =	sadd.s32 $0x1, s6;
	s7 =	smov.u32 s8;
	s8 =	sadd.s32 $0x1, s8  }
0xdd: {  	p2 =	sne.s32 s2, s8;
	v1 =	vld.msk @!p1 [tilespmem:s6+$0x0], $0x1;
	_ =	sdelay $0x4  }
0xde: {  	(v2sf) =	vpush @!p1 v1, $0x0;
	_ =	sdelay $0xe  }
.Ltmp10:
0xdf: {  	s10 =	spop @!p1 (v2sf);
	(pc) =	sbr.rel @p2 .LBB2_11-.Ltmp10, $4  }
0xe0: {  	p3 =	seq.s32 @!p1 s5, s10  }
0xe1: {  	p3 =	por !p3, p1  }
0xe2: {  	s7 =	simm.s32 @p3 $0xFFFFFFFF  }
0xe3: {  	s7 =	smov.u32 @p1 s9  }
.LBB2_12:
0xe4: {  	p1 =	sne.s32 s7, $0xFFFFFFFF  }
.Ltmp11:
0xe5: {  	_ = 	snop;
	(pc) =	sbr.rel @!p1 .LBB2_13-.Ltmp11, $1  }
0xe6: {  	_ =	sdelay $0x3  }
0xe7: {  	v0 =	vld.msk [tilespmem:s4+$0xE0], $0x1;
	v1 =	vmov s7  }
.Ltmp12:
0xe8: {  	_ = 	snop;
	(pc) =	sbr.rel .LBB2_15-.Ltmp12, $2  }
0xe9: {  	_ =	sdelay $0x2  }
0xea: {  	[tilespmem:v1+s3+$0x0], v0 =	vst.idx.ret.add.f32.msk $0x1, v0  }
.LBB2_16:
0xeb: {  	p0 =	slt.s32 s2, $0x1  }
.Ltmp13:
0xec: {  	_ = 	snop;
	(pc) =	sbr.rel @p0 .LBB2_20-.Ltmp13, $3  }
0xed: {  	_ =	sdelay $0x1  }
0xee: {  	s3 =	simm.s32 $0x6  }
0xef: {  	[sflag:s3] =	ssyncpa.u1 $0x1;
	s3 =	simm.s32 $0x0  }
0xf0: {  	s4 =	simm.s32 $0xC0  }
0xf1: {  	v0 =	vld.msk [tilespmem:s4+$0x0], $0x1;
	_ =	sdelay $0x4  }
0xf2: {  	(v2sf) =	vpush v0, $0x0;
	_ =	sdelay $0xe  }
0xf3: {  	s2 =	sadd.s32 $0xFFFFFFFF, s2;
	s5 =	spop (v2sf)  }
0xf4: {  	p1 =	sne.s32 s2, $0x0;
	p0 =	sgt.u32 s5, $0x9FF  }
.Ltmp14:
0xf5: {  	s6 =	sshrl.u32 @!p0 s5, $0x3;
	(pc) =	sbr.rel @!p1 .LBB2_19-.Ltmp14, $4  }
0xf6: {  	s4 =	simm.s32 $0xE0;
	s5 =	sand.u32 @!p0 $0x7, s5;
	s6 =	sadd.s32 @!p0 s1, s6  }
0xf7: {  	[hbm4b:s6+s5] =	stream.linear.scatter @!p0 [tilespmem:s4], [sflag:$0x5], $0x1, $0x38;
	[tilespmem:$0x190] =	vst v63  }
0xf8: {  	s6 =	simm.s32 $0x0  }
0xf9: {  	s5 =	simm.s32 $0xC1;
	s6 =	simm.s32 @!p0 $0x4  }
.LBB2_18:
0xfa: {  	v0 =	vld.msk [tilespmem:s5+$0x0], $0x1;
	s2 =	sadd.s32 $0xFFFFFFFF, s2;
	s3 =	sadd.s32 s3, s6  }
0xfb: {  	p0 =	sne.s32 s2, $0x0;
	_ =	sdelay $0x3  }
0xfc: {  	(v2sf) =	vpush v0, $0x0;
	_ =	sdelay $0xe  }
.Ltmp15:
0xfd: {  	s7 =	spop (v2sf);
	(pc) =	sbr.rel @p0 .LBB2_18-.Ltmp15, $4  }
0xfe: {  	s6 =	simm.s32 $0x0;
	p1 =	sgt.u32 s7, $0x9FF  }
0xff: {  	s4 =	sadd.s32 $0x1, s4;
	s6 =	simm.s32 @!p1 $0x4;
	s8 =	sshrl.u32 @!p1 s7, $0x3  }
0x100: {  	s5 =	sadd.s32 $0x1, s5;
	s7 =	sand.u32 @!p1 $0x7, s7;
	s8 =	sadd.s32 @!p1 s1, s8  }
0x101: {  	[hbm4b:s8+s7] =	stream.linear.scatter @!p1 [tilespmem:s4], [sflag:$0x5], $0x1, $0x38;
	[tilespmem:$0x190] =	vst v63  }
.LBB2_19:
0x102: {  	s1 =	sadd.s32 s3, s6  }
0x103: {  	s3 =	sshrl.u32 s1, $0x2  }
.LBB2_20:
0x104: {  	s1 =	simm.s32 $0x5  }
0x105: {  	_ =	swait.ge [sflag:s1], s3  }
0x106: {  	s2 =	ssub.s32 $0x0, s3;
	[sflag:s1] =	ssyncset.done $0x0  }
0x107: {  	[sflag:s1] =	ssyncadd.s32 s2  }
0x108: {  	[sflag:s1] =	ssyncpa.u1 $0x1  }
0x109: {  	s30 =	simm.s32 $0x1;
	_ =	sfence  }
0x10a: {  	s31 =	simm.s32 $0x2;
	[sflag:s30] =	ssyncpa.u1 $0x1  }
0x10b: {  	[sflag:s31] =	ssyncpa.u1 $0x1  }
0x10c: {  	_ =	strace $0x90000047  }
0x10d: {  	s0 =	sadd.s32 $0x100000, s0;
	[bflag:$0x2] =	sbarrier.arrive $0xFFFF  }
0x10e: {  	[sflag:s0] =	ssyncadd.tile.s32 $0x1;
	_ =	shalt  }
.Lfunc_end2:
_tile_overlayer_lowered:
.L_overlay_start_2:
0x10f: {  	(tag) =	ssettag $0x2  }
0x110: {  	s0 =	rddreg [dreg:$0x0];
	s2 =	stileid.u32  }
0x111: {  	s1 =	rddreg [dreg:$0x1];
	p0 =	sne.s32 s2, $0x0  }
0x112: {  	s3 =	rddreg [dreg:$0x2];
	[bflag:$0x3] =	sbarrier.arrive $0xFFFF;
	s2 =	simm.s32 @!p0 $0x1C01  }
0x113: {  	[timem:s3], [sflag:s2] =	dma.local @!p0 [hbm:s0], s1  }
0x114: {  	s0 =	simm.s32 @!p0 $0x1  }
0x115: {  	_ =	swait.ge @!p0 [sflag:s0], s1  }
0x116: {  	s1 =	ssub.s32 @!p0 $0x0, s1;
	[sflag:s0] =	ssyncset.done @!p0 $0x0  }
0x117: {  	[sflag:s0] =	ssyncadd.s32 @!p0 s1  }
0x118: {  	[bflag:$0x3] =	sbarrier.arrive $0xFFFF  }
0x119: {  	_ =	shalt  }

</sc_bundles>
